<compile_context>
chip_gen: v7x
topology: tpu7x:2x2x1
jax: 0.10.2.dev20260603
libtpu: 0.0.44.dev20260713+nightly
codegen_flags: <defaults>
</compile_context>

<pallas_src>
import functools

import jax
import jax.numpy as jnp
from jax import lax
from jax.experimental import pallas as pl
from jax.experimental.pallas import tpu as pltpu
from jax.experimental.pallas import tpu_sc as plsc

_NC = 2
_NS = 16
_NW = _NC * _NS
_L = 16
_CHUNK = 4096
_UNROLL = 4

_S1 = 15
_B1 = 1 << (31 - _S1)


def _mesh():
    return plsc.VectorSubcoreMesh(core_axis_name="c", subcore_axis_name="s")


def _params():
    return pltpu.CompilerParams(needs_layout_passes=False)


def _wid():
    return lax.axis_index("s") * _NC + lax.axis_index("c")


def _zero_hist(hist, words):
    z = jnp.zeros((_L,), jnp.int32)

    def body(b, carry):
        hist[pl.ds(b * _L, _L)] = z
        return carry

    lax.fori_loop(0, words // _L, body, None)


def _stream(l_hbm, bufs, sem0, sem1, base_w, chunks, body_fn, carry_init):
    sems = (sem0, sem1)

    def start(i, p):
        base = pl.multiple_of(base_w + i * _CHUNK, _CHUNK)
        pltpu.async_copy(l_hbm.at[pl.ds(base, _CHUNK)], bufs[p], sems[p])

    def wait(p):
        pltpu.make_async_copy(
            l_hbm.at[pl.ds(0, _CHUNK)], bufs[p], sems[p]).wait()

    start(0, 0)

    def pair(ip, carry):
        i = ip * 2
        start(i + 1, 1)
        wait(0)
        carry = body_fn(bufs[0], carry)

        @pl.when(i + 2 < chunks)
        def _():
            start(i + 2, 0)

        wait(1)
        carry = body_fn(bufs[1], carry)
        return carry

    return lax.fori_loop(0, chunks // 2, pair, carry_init)


def _inner(body1, carry_init):

    def body(jj, carry):
        for v in range(_UNROLL):
            carry = body1(jj * _UNROLL + v, carry)
        return carry

    return lax.fori_loop(0, _CHUNK // _L // _UNROLL, body, carry_init)


@functools.lru_cache(maxsize=None)
def _build(n):
    nw = n // _NW
    chunks = nw // _CHUNK
    assert nw % _CHUNK == 0 and chunks % 2 == 0

    @functools.partial(
        pl.kernel,
        out_type=jax.ShapeDtypeStruct((_NW, _B1), jnp.int32),
        mesh=_mesh(),
        compiler_params=_params(),
        scratch_types=[
            pltpu.VMEM((_CHUNK,), jnp.float32),
            pltpu.VMEM((_CHUNK,), jnp.float32),
            pltpu.VMEM((_B1,), jnp.int32),
            pltpu.SemaphoreType.DMA,
            pltpu.SemaphoreType.DMA,
        ],
    )
    def pass1(l_hbm, out_hbm, lb0, lb1, hist, sem0, sem1):
        ones = jnp.ones((_L,), jnp.int32)
        _zero_hist(hist, _B1)

        def chunk_body(lb, carry):
            def body1(j, c):
                lv = lb[pl.ds(j * _L, _L)]
                u = lax.bitcast_convert_type(lv, jnp.int32)
                plsc.addupdate_scatter(hist, [u >> _S1], ones)
                return c

            return _inner(body1, carry)

        _stream(l_hbm, (lb0, lb1), sem0, sem1,
                _wid() * nw, chunks, chunk_body, 0)
        pltpu.sync_copy(hist, out_hbm.at[_wid()])

    return pass1


@functools.lru_cache(maxsize=None)
def _build_loss(shape, b_lo, b_hi):
    b, rows, cols = shape
    br = 512
    grid = ((b_hi - b_lo) * rows) // br
    bpb = rows // br
    flat3 = lambda i: (b_lo + i // bpb, i % bpb, 0)

    def body(o_ref, t_ref, l_ref):
        d = o_ref[...] - t_ref[...]
        l_ref[...] = (d * d).reshape(-1)

    return pl.pallas_call(
        body,
        grid=(grid,),
        in_specs=[
            pl.BlockSpec((1, br, cols), flat3),
            pl.BlockSpec((1, br, cols), flat3),
        ],
        out_specs=pl.BlockSpec((br * cols,), lambda i: (i,)),
        out_shape=jax.ShapeDtypeStruct(((b_hi - b_lo) * rows * cols,),
                                       jnp.float32),
    )


@functools.lru_cache(maxsize=None)
def _build_masked_sum(shape):
    b, rows, cols = shape
    br = 512
    grid = (b * rows) // br
    assert rows % br == 0

    def body(thr_ref, o_ref, t_ref, sum_ref, cnt_ref):
        i = pl.program_id(0)

        @pl.when(i == 0)
        def _():
            sum_ref[...] = jnp.zeros_like(sum_ref)
            cnt_ref[...] = jnp.zeros_like(cnt_ref)

        d = o_ref[...] - t_ref[...]
        l = d * d
        keep = l < thr_ref[0, 0]
        sum_ref[...] += jnp.sum(jnp.where(keep, l, 0.0))
        cnt_ref[...] += jnp.sum(keep.astype(jnp.int32))

    bpb = rows // br
    flat = lambda i: (i // bpb, i % bpb, 0)
    return pl.pallas_call(
        body,
        grid=(grid,),
        in_specs=[
            pl.BlockSpec(memory_space=pltpu.SMEM),
            pl.BlockSpec((1, br, cols), flat),
            pl.BlockSpec((1, br, cols), flat),
        ],
        out_specs=(
            pl.BlockSpec((8, 128), lambda i: (0, 0)),
            pl.BlockSpec((8, 128), lambda i: (0, 0)),
        ),
        out_shape=(
            jax.ShapeDtypeStruct((8, 128), jnp.float32),
            jax.ShapeDtypeStruct((8, 128), jnp.int32),
        ),
    )


def _rank_split(cum, r):
    b = jnp.searchsorted(cum, r, side="right")
    below = jnp.where(b > 0, cum[jnp.maximum(b - 1, 0)], 0)
    return b.astype(jnp.int32), (r - below).astype(jnp.int32)


def kernel(outputs, targets):
    n = outputs.size
    nb = outputs.shape[0]
    half = nb // 2
    p0a = _build_loss(outputs.shape, 0, half)
    p0b = _build_loss(outputs.shape, half, nb)
    p1 = _build(n // 2)
    p2 = _build_masked_sum(outputs.shape)
    loss_a = p0a(outputs, targets)
    loss_b = p0b(outputs, targets)

    k_lo = [(n - 1) // 4, (3 * (n - 1)) // 4]
    frac = jnp.array(
        [((n - 1) % 4) / 4.0, ((3 * (n - 1)) % 4) / 4.0], jnp.float32)

    h1 = (p1(loss_a) + p1(loss_b)).sum(axis=0)
    c1 = jnp.cumsum(h1)
    b1 = []
    r1 = []
    for k in k_lo:
        b, r = _rank_split(c1, jnp.int32(k))
        b1.append(b)
        r1.append(r)
    b1 = jnp.stack(b1)
    r1 = jnp.stack(r1)

    cnt_b = h1[b1]
    v_start = lax.bitcast_convert_type(b1 << _S1, jnp.float32)
    v_end = lax.bitcast_convert_type((b1 + 1) << _S1, jnp.float32)
    pos = (r1.astype(jnp.float32) + frac + 0.5) / cnt_b.astype(jnp.float32)
    q = v_start + pos * (v_end - v_start)
    thresh = 2.5 * q[1] - 1.5 * q[0]

    thr_smem = thresh.reshape(1, 1).astype(jnp.float32)
    sums, cnts = p2(thr_smem, outputs, targets)
    total = sums[0, 0]
    count = cnts[0, 0]
    return total / count.astype(jnp.float32)

# --- scband reference (transcript-rebuilt; emitter-appended) ---
"""Pipeline reference for scband-loss-iqr-38259568673036 (READ-ONLY COPY).

The authoritative reference and input builder live on the scoring server;
editing this copy changes nothing except your own understanding.
"""

import jax, jax.numpy as jnp
import numpy as np


def setup_inputs(seed: int = 0) -> dict:
    key = jax.random.key(seed)
    k1, k2 = jax.random.split(key)
    outputs = jax.random.normal(k1, (4, 4096, 1024), dtype=jnp.float32)
    targets = jax.random.normal(k2, (4, 4096, 1024), dtype=jnp.float32)
    return {"outputs": outputs, "targets": targets}


def reference(outputs, targets):
    # elementwise loss: nn.MSELoss(reduction='none')
    loss = (outputs - targets) ** 2
    flat = loss.reshape(-1)
    # torch.quantile with default linear interpolation == jnp.quantile default
    q = jnp.quantile(flat, jnp.array([0.25, 0.75], dtype=flat.dtype))
    q1 = q[0]
    q3 = q[1]
    thresh = 2.5 * q3 - 1.5 * q1
    # mask computed under no_grad in torch -> stop_gradient
    mask = jax.lax.stop_gradient((flat < thresh).astype(flat.dtype))
    # loss[mask].mean() == sum(loss*mask)/sum(mask)
    return jnp.sum(flat * mask) / jnp.sum(mask)

if __name__ == "__main__":
    import jax
    _d = setup_inputs()
    print(jax.jit(kernel)(*tuple(_d.values())))

</pallas_src>

<mosaic_0001>
#map = affine_map<(d0, d1) -> (0)>
#map1 = affine_map<(d0, d1) -> (0, 0)>
module attributes {stable_mosaic.version = 14 : i64} {
  func.func @pass1(%arg0: i32, %arg1: i32, %arg2: memref<8388608xf32, #tpu.memory_space<hbm>>, %arg3: memref<32x65536xi32, #tpu.memory_space<hbm>>, %arg4: memref<4096xf32, #tpu.memory_space<vmem>>, %arg5: memref<4096xf32, #tpu.memory_space<vmem>>, %arg6: memref<65536xi32, #tpu.memory_space<vmem>>, %arg7: memref<!tpu.dma_semaphore, #tpu.memory_space<semaphore_mem>>, %arg8: memref<!tpu.dma_semaphore, #tpu.memory_space<semaphore_mem>>) attributes {dimension_semantics = [#tpu.dimension_semantics<core_parallel>, #tpu.dimension_semantics<subcore_parallel>], iteration_bounds = array<i64: 2, 16>, scalar_prefetch = 0 : i64, scratch_operands = 5 : i64, tpu.core_type = #tpu.core_type<sc_vector_subcore>, window_params = [{transform_indices = #map}, {transform_indices = #map1}]} {
    %broadcast_in_dim3A = arith.constant 1 : i32
    %broadcast_in_dim3A_0 = vector.broadcast %broadcast_in_dim3A : i32 to vector<16xi32>
    %broadcast_in_dim3A_1 = arith.constant 0 : i32
    %broadcast_in_dim3A_2 = vector.broadcast %broadcast_in_dim3A_1 : i32 to vector<16xi32>
    %scan3A = arith.constant 0 : i32
    %scan3A_3 = arith.constant 4096 : i32
    %scan3A_4 = arith.addi %scan3A, %scan3A_3 : i32
    %scan3A_5 = arith.constant 1 : i32
    scf.for %scan3A_22 = %scan3A to %scan3A_4 step %scan3A_5  : i32 {
      %mul3A_23 = arith.constant 16 : i32
      %mul3A_24 = arith.muli %scan3A_22, %mul3A_23 : i32
      %swap3A = arith.index_cast %mul3A_24 : i32 to index
      %swap3A_25 = tpu.vector_load %arg6[%swap3A] {strides = array<i32>} : memref<65536xi32, #tpu.memory_space<vmem>>, vector<16xi32>,
      tpu.vector_store %arg6[%swap3A], %broadcast_in_dim3A_2 {strides = array<i32>} : memref<65536xi32, #tpu.memory_space<vmem>>, vector<16xi32>,
    }
    %scan3A_6 = arith.constant 4096 : i32
    %mul3A = arith.constant 2 : i32
    %mul3A_7 = arith.muli %arg1, %mul3A : i32
    %add3A = arith.addi %mul3A_7, %arg0 : i32
    %mul3A_8 = arith.constant 262144 : i32
    %mul3A_9 = arith.muli %add3A, %mul3A_8 : i32
    %add3A_10 = arith.constant 0 : i32
    %add3A_11 = arith.addi %mul3A_9, %add3A_10 : i32
    %multiple_of3A = tpu.assume_multiple %add3A_11, 4096 : i32
    %dma_start3A = tpu.memref_slice %arg2[%multiple_of3A] : memref<8388608xf32, #tpu.memory_space<hbm>> -> memref<4096xf32, #tpu.memory_space<hbm>>
    %dma_start3A_12 = tpu.memref_slice %arg2[%multiple_of3A] : memref<8388608xf32, #tpu.memory_space<hbm>> -> memref<4096xf32, #tpu.memory_space<hbm>>
    tpu.enqueue_dma source(%dma_start3A_12 : memref<4096xf32, #tpu.memory_space<hbm>>) target(%arg4 : memref<4096xf32, #tpu.memory_space<vmem>>) target_semaphore(%arg7 : memref<!tpu.dma_semaphore, #tpu.memory_space<semaphore_mem>>)
    %scan3A_13 = arith.constant 0 : i32
    %scan3A_14 = arith.constant 0 : i32
    %scan3A_15 = arith.constant 32 : i32
    %scan3A_16 = arith.addi %scan3A_14, %scan3A_15 : i32
    %scan3A_17 = arith.constant 1 : i32
    scf.for %scan3A_22 = %scan3A_14 to %scan3A_16 step %scan3A_17  : i32 {
      %mul3A_23 = arith.constant 2 : i32
      %mul3A_24 = arith.muli %scan3A_22, %mul3A_23 : i32
      %add3A_25 = arith.constant 1 : i32
      %add3A_26 = arith.addi %mul3A_24, %add3A_25 : i32
      %mul3A_27 = arith.constant 4096 : i32
      %mul3A_28 = arith.muli %add3A_26, %mul3A_27 : i32
      %add3A_29 = arith.addi %mul3A_9, %mul3A_28 : i32
      %multiple_of3A_30 = tpu.assume_multiple %add3A_29, 4096 : i32
      %dma_start3A_31 = tpu.memref_slice %arg2[%multiple_of3A_30] : memref<8388608xf32, #tpu.memory_space<hbm>> -> memref<4096xf32, #tpu.memory_space<hbm>>
      %dma_start3A_32 = tpu.memref_slice %arg2[%multiple_of3A_30] : memref<8388608xf32, #tpu.memory_space<hbm>> -> memref<4096xf32, #tpu.memory_space<hbm>>
      tpu.enqueue_dma source(%dma_start3A_32 : memref<4096xf32, #tpu.memory_space<hbm>>) target(%arg5 : memref<4096xf32, #tpu.memory_space<vmem>>) target_semaphore(%arg8 : memref<!tpu.dma_semaphore, #tpu.memory_space<semaphore_mem>>)
      %dma_wait3A = arith.constant 0 : i32
      %dma_wait3A_33 = tpu.memref_slice %arg2[%dma_wait3A] : memref<8388608xf32, #tpu.memory_space<hbm>> -> memref<4096xf32, #tpu.memory_space<hbm>>
      %dma_wait3A_34 = arith.constant 0 : i32
      %dma_wait3A_35 = tpu.memref_slice %arg2[%dma_wait3A_34] : memref<8388608xf32, #tpu.memory_space<hbm>> -> memref<4096xf32, #tpu.memory_space<hbm>>
      tpu.wait_dma2 semaphore(%arg7 : memref<!tpu.dma_semaphore, #tpu.memory_space<semaphore_mem>>) src(%dma_wait3A_35 : memref<4096xf32, #tpu.memory_space<hbm>>) dst(%arg4 : memref<4096xf32, #tpu.memory_space<vmem>>)
      %scan3A_36 = arith.constant 0 : i32
      %scan3A_37 = arith.constant 64 : i32
      %scan3A_38 = arith.addi %scan3A_36, %scan3A_37 : i32
      %scan3A_39 = arith.constant 1 : i32
      scf.for %scan3A_54 = %scan3A_36 to %scan3A_38 step %scan3A_39  : i32 {
        %mul3A_55 = arith.constant 4 : i32
        %mul3A_56 = arith.muli %scan3A_54, %mul3A_55 : i32
        %add3A_57 = arith.constant 0 : i32
        %add3A_58 = arith.addi %mul3A_56, %add3A_57 : i32
        %mul3A_59 = arith.constant 16 : i32
        %mul3A_60 = arith.muli %add3A_58, %mul3A_59 : i32
        %get3A = arith.index_cast %mul3A_60 : i32 to index
        %get3A_61 = tpu.vector_load %arg4[%get3A] {strides = array<i32>} : memref<4096xf32, #tpu.memory_space<vmem>>, vector<16xf32>,
        %bitcast_convert_type3A = tpu.bitcast %get3A_61 : vector<16xf32> -> vector<16xi32>
        %shift_right_arithmetic3A = arith.constant 15 : i32
        %shift_right_arithmetic3A_62 = vector.broadcast %shift_right_arithmetic3A : i32 to vector<16xi32>
        %shift_right_arithmetic3A_63 = arith.shrsi %bitcast_convert_type3A, %shift_right_arithmetic3A_62 : vector<16xi32>
        tpu.vector_store_idx %arg6[%shift_right_arithmetic3A_63], %broadcast_in_dim3A_0 {add = true} : memref<65536xi32, #tpu.memory_space<vmem>>[vector<16xi32>], vector<16xi32>,
        %mul3A_64 = arith.constant 4 : i32
        %mul3A_65 = arith.muli %scan3A_54, %mul3A_64 : i32
        %add3A_66 = arith.constant 1 : i32
        %add3A_67 = arith.addi %mul3A_65, %add3A_66 : i32
        %mul3A_68 = arith.constant 16 : i32
        %mul3A_69 = arith.muli %add3A_67, %mul3A_68 : i32
        %get3A_70 = arith.index_cast %mul3A_69 : i32 to index
        %get3A_71 = tpu.vector_load %arg4[%get3A_70] {strides = array<i32>} : memref<4096xf32, #tpu.memory_space<vmem>>, vector<16xf32>,
        %bitcast_convert_type3A_72 = tpu.bitcast %get3A_71 : vector<16xf32> -> vector<16xi32>
        %shift_right_arithmetic3A_73 = arith.constant 15 : i32
        %shift_right_arithmetic3A_74 = vector.broadcast %shift_right_arithmetic3A_73 : i32 to vector<16xi32>
        %shift_right_arithmetic3A_75 = arith.shrsi %bitcast_convert_type3A_72, %shift_right_arithmetic3A_74 : vector<16xi32>
        tpu.vector_store_idx %arg6[%shift_right_arithmetic3A_75], %broadcast_in_dim3A_0 {add = true} : memref<65536xi32, #tpu.memory_space<vmem>>[vector<16xi32>], vector<16xi32>,
        %mul3A_76 = arith.constant 4 : i32
        %mul3A_77 = arith.muli %scan3A_54, %mul3A_76 : i32
        %add3A_78 = arith.constant 2 : i32
        %add3A_79 = arith.addi %mul3A_77, %add3A_78 : i32
        %mul3A_80 = arith.constant 16 : i32
        %mul3A_81 = arith.muli %add3A_79, %mul3A_80 : i32
        %get3A_82 = arith.index_cast %mul3A_81 : i32 to index
        %get3A_83 = tpu.vector_load %arg4[%get3A_82] {strides = array<i32>} : memref<4096xf32, #tpu.memory_space<vmem>>, vector<16xf32>,
        %bitcast_convert_type3A_84 = tpu.bitcast %get3A_83 : vector<16xf32> -> vector<16xi32>
        %shift_right_arithmetic3A_85 = arith.constant 15 : i32
        %shift_right_arithmetic3A_86 = vector.broadcast %shift_right_arithmetic3A_85 : i32 to vector<16xi32>
        %shift_right_arithmetic3A_87 = arith.shrsi %bitcast_convert_type3A_84, %shift_right_arithmetic3A_86 : vector<16xi32>
        tpu.vector_store_idx %arg6[%shift_right_arithmetic3A_87], %broadcast_in_dim3A_0 {add = true} : memref<65536xi32, #tpu.memory_space<vmem>>[vector<16xi32>], vector<16xi32>,
        %mul3A_88 = arith.constant 4 : i32
        %mul3A_89 = arith.muli %scan3A_54, %mul3A_88 : i32
        %add3A_90 = arith.constant 3 : i32
        %add3A_91 = arith.addi %mul3A_89, %add3A_90 : i32
        %mul3A_92 = arith.constant 16 : i32
        %mul3A_93 = arith.muli %add3A_91, %mul3A_92 : i32
        %get3A_94 = arith.index_cast %mul3A_93 : i32 to index
        %get3A_95 = tpu.vector_load %arg4[%get3A_94] {strides = array<i32>} : memref<4096xf32, #tpu.memory_space<vmem>>, vector<16xf32>,
        %bitcast_convert_type3A_96 = tpu.bitcast %get3A_95 : vector<16xf32> -> vector<16xi32>
        %shift_right_arithmetic3A_97 = arith.constant 15 : i32
        %shift_right_arithmetic3A_98 = vector.broadcast %shift_right_arithmetic3A_97 : i32 to vector<16xi32>
        %shift_right_arithmetic3A_99 = arith.shrsi %bitcast_convert_type3A_96, %shift_right_arithmetic3A_98 : vector<16xi32>
        tpu.vector_store_idx %arg6[%shift_right_arithmetic3A_99], %broadcast_in_dim3A_0 {add = true} : memref<65536xi32, #tpu.memory_space<vmem>>[vector<16xi32>], vector<16xi32>,
      }
      %scan3A_40 = arith.constant 64 : i32
      %add3A_41 = arith.constant 2 : i32
      %add3A_42 = arith.addi %mul3A_24, %add3A_41 : i32
      %lt3A = arith.constant 64 : i32
      %lt3A_43 = arith.cmpi slt, %add3A_42, %lt3A : i32
      %convert_element_type3A = arith.extui %lt3A_43 : i1 to i32
      %cond3A = arith.constant 0 : i32
      %cond3A_44 = arith.cmpi ne, %convert_element_type3A, %cond3A : i32
      scf.if %cond3A_44 {
        %add3A_54 = arith.constant 2 : i32
        %add3A_55 = arith.addi %mul3A_24, %add3A_54 : i32
        %mul3A_56 = arith.constant 4096 : i32
        %mul3A_57 = arith.muli %add3A_55, %mul3A_56 : i32
        %add3A_58 = arith.addi %mul3A_9, %mul3A_57 : i32
        %multiple_of3A_59 = tpu.assume_multiple %add3A_58, 4096 : i32
        %dma_start3A_60 = tpu.memref_slice %arg2[%multiple_of3A_59] : memref<8388608xf32, #tpu.memory_space<hbm>> -> memref<4096xf32, #tpu.memory_space<hbm>>
        %dma_start3A_61 = tpu.memref_slice %arg2[%multiple_of3A_59] : memref<8388608xf32, #tpu.memory_space<hbm>> -> memref<4096xf32, #tpu.memory_space<hbm>>
        tpu.enqueue_dma source(%dma_start3A_61 : memref<4096xf32, #tpu.memory_space<hbm>>) target(%arg4 : memref<4096xf32, #tpu.memory_space<vmem>>) target_semaphore(%arg7 : memref<!tpu.dma_semaphore, #tpu.memory_space<semaphore_mem>>)
      } else {
      }
      %dma_wait3A_45 = arith.constant 0 : i32
      %dma_wait3A_46 = tpu.memref_slice %arg2[%dma_wait3A_45] : memref<8388608xf32, #tpu.memory_space<hbm>> -> memref<4096xf32, #tpu.memory_space<hbm>>
      %dma_wait3A_47 = arith.constant 0 : i32
      %dma_wait3A_48 = tpu.memref_slice %arg2[%dma_wait3A_47] : memref<8388608xf32, #tpu.memory_space<hbm>> -> memref<4096xf32, #tpu.memory_space<hbm>>
      tpu.wait_dma2 semaphore(%arg8 : memref<!tpu.dma_semaphore, #tpu.memory_space<semaphore_mem>>) src(%dma_wait3A_48 : memref<4096xf32, #tpu.memory_space<hbm>>) dst(%arg5 : memref<4096xf32, #tpu.memory_space<vmem>>)
      %scan3A_49 = arith.constant 0 : i32
      %scan3A_50 = arith.constant 64 : i32
      %scan3A_51 = arith.addi %scan3A_49, %scan3A_50 : i32
      %scan3A_52 = arith.constant 1 : i32
      scf.for %scan3A_54 = %scan3A_49 to %scan3A_51 step %scan3A_52  : i32 {
        %mul3A_55 = arith.constant 4 : i32
        %mul3A_56 = arith.muli %scan3A_54, %mul3A_55 : i32
        %add3A_57 = arith.constant 0 : i32
        %add3A_58 = arith.addi %mul3A_56, %add3A_57 : i32
        %mul3A_59 = arith.constant 16 : i32
        %mul3A_60 = arith.muli %add3A_58, %mul3A_59 : i32
        %get3A = arith.index_cast %mul3A_60 : i32 to index
        %get3A_61 = tpu.vector_load %arg5[%get3A] {strides = array<i32>} : memref<4096xf32, #tpu.memory_space<vmem>>, vector<16xf32>,
        %bitcast_convert_type3A = tpu.bitcast %get3A_61 : vector<16xf32> -> vector<16xi32>
        %shift_right_arithmetic3A = arith.constant 15 : i32
        %shift_right_arithmetic3A_62 = vector.broadcast %shift_right_arithmetic3A : i32 to vector<16xi32>
        %shift_right_arithmetic3A_63 = arith.shrsi %bitcast_convert_type3A, %shift_right_arithmetic3A_62 : vector<16xi32>
        tpu.vector_store_idx %arg6[%shift_right_arithmetic3A_63], %broadcast_in_dim3A_0 {add = true} : memref<65536xi32, #tpu.memory_space<vmem>>[vector<16xi32>], vector<16xi32>,
        %mul3A_64 = arith.constant 4 : i32
        %mul3A_65 = arith.muli %scan3A_54, %mul3A_64 : i32
        %add3A_66 = arith.constant 1 : i32
        %add3A_67 = arith.addi %mul3A_65, %add3A_66 : i32
        %mul3A_68 = arith.constant 16 : i32
        %mul3A_69 = arith.muli %add3A_67, %mul3A_68 : i32
        %get3A_70 = arith.index_cast %mul3A_69 : i32 to index
        %get3A_71 = tpu.vector_load %arg5[%get3A_70] {strides = array<i32>} : memref<4096xf32, #tpu.memory_space<vmem>>, vector<16xf32>,
        %bitcast_convert_type3A_72 = tpu.bitcast %get3A_71 : vector<16xf32> -> vector<16xi32>
        %shift_right_arithmetic3A_73 = arith.constant 15 : i32
        %shift_right_arithmetic3A_74 = vector.broadcast %shift_right_arithmetic3A_73 : i32 to vector<16xi32>
        %shift_right_arithmetic3A_75 = arith.shrsi %bitcast_convert_type3A_72, %shift_right_arithmetic3A_74 : vector<16xi32>
        tpu.vector_store_idx %arg6[%shift_right_arithmetic3A_75], %broadcast_in_dim3A_0 {add = true} : memref<65536xi32, #tpu.memory_space<vmem>>[vector<16xi32>], vector<16xi32>,
        %mul3A_76 = arith.constant 4 : i32
        %mul3A_77 = arith.muli %scan3A_54, %mul3A_76 : i32
        %add3A_78 = arith.constant 2 : i32
        %add3A_79 = arith.addi %mul3A_77, %add3A_78 : i32
        %mul3A_80 = arith.constant 16 : i32
        %mul3A_81 = arith.muli %add3A_79, %mul3A_80 : i32
        %get3A_82 = arith.index_cast %mul3A_81 : i32 to index
        %get3A_83 = tpu.vector_load %arg5[%get3A_82] {strides = array<i32>} : memref<4096xf32, #tpu.memory_space<vmem>>, vector<16xf32>,
        %bitcast_convert_type3A_84 = tpu.bitcast %get3A_83 : vector<16xf32> -> vector<16xi32>
        %shift_right_arithmetic3A_85 = arith.constant 15 : i32
        %shift_right_arithmetic3A_86 = vector.broadcast %shift_right_arithmetic3A_85 : i32 to vector<16xi32>
        %shift_right_arithmetic3A_87 = arith.shrsi %bitcast_convert_type3A_84, %shift_right_arithmetic3A_86 : vector<16xi32>
        tpu.vector_store_idx %arg6[%shift_right_arithmetic3A_87], %broadcast_in_dim3A_0 {add = true} : memref<65536xi32, #tpu.memory_space<vmem>>[vector<16xi32>], vector<16xi32>,
        %mul3A_88 = arith.constant 4 : i32
        %mul3A_89 = arith.muli %scan3A_54, %mul3A_88 : i32
        %add3A_90 = arith.constant 3 : i32
        %add3A_91 = arith.addi %mul3A_89, %add3A_90 : i32
        %mul3A_92 = arith.constant 16 : i32
        %mul3A_93 = arith.muli %add3A_91, %mul3A_92 : i32
        %get3A_94 = arith.index_cast %mul3A_93 : i32 to index
        %get3A_95 = tpu.vector_load %arg5[%get3A_94] {strides = array<i32>} : memref<4096xf32, #tpu.memory_space<vmem>>, vector<16xf32>,
        %bitcast_convert_type3A_96 = tpu.bitcast %get3A_95 : vector<16xf32> -> vector<16xi32>
        %shift_right_arithmetic3A_97 = arith.constant 15 : i32
        %shift_right_arithmetic3A_98 = vector.broadcast %shift_right_arithmetic3A_97 : i32 to vector<16xi32>
        %shift_right_arithmetic3A_99 = arith.shrsi %bitcast_convert_type3A_96, %shift_right_arithmetic3A_98 : vector<16xi32>
        tpu.vector_store_idx %arg6[%shift_right_arithmetic3A_99], %broadcast_in_dim3A_0 {add = true} : memref<65536xi32, #tpu.memory_space<vmem>>[vector<16xi32>], vector<16xi32>,
      }
      %scan3A_53 = arith.constant 64 : i32
    }
    %scan3A_18 = arith.constant 32 : i32
    %mul3A_19 = arith.constant 2 : i32
    %mul3A_20 = arith.muli %arg1, %mul3A_19 : i32
    %add3A_21 = arith.addi %mul3A_20, %arg0 : i32
    "tpu.region"() ({
      %run_scoped3A = tpu.sem_alloc : memref<!tpu.dma_semaphore, #tpu.memory_space<semaphore_mem>>
      %dma_start3A_22 = arith.constant 0 : i32
      %dma_start3A_23 = tpu.memref_slice %arg3[%add3A_21, %dma_start3A_22] : memref<32x65536xi32, #tpu.memory_space<hbm>> -> memref<1x65536xi32, #tpu.memory_space<hbm>>
      %dma_start3A_24 = tpu.memref_squeeze %dma_start3A_23 : memref<1x65536xi32, #tpu.memory_space<hbm>> -> memref<65536xi32, #tpu.memory_space<hbm>>
      %dma_start3A_25 = arith.constant 0 : i32
      %dma_start3A_26 = tpu.memref_slice %arg3[%add3A_21, %dma_start3A_25] : memref<32x65536xi32, #tpu.memory_space<hbm>> -> memref<1x65536xi32, #tpu.memory_space<hbm>>
      %dma_start3A_27 = tpu.memref_squeeze %dma_start3A_26 : memref<1x65536xi32, #tpu.memory_space<hbm>> -> memref<65536xi32, #tpu.memory_space<hbm>>
      tpu.enqueue_dma source(%arg6 : memref<65536xi32, #tpu.memory_space<vmem>>) target(%dma_start3A_27 : memref<65536xi32, #tpu.memory_space<hbm>>) target_semaphore(%run_scoped3A : memref<!tpu.dma_semaphore, #tpu.memory_space<semaphore_mem>>)
      %dma_wait3A = arith.constant 0 : i32
      %dma_wait3A_28 = tpu.memref_slice %arg3[%add3A_21, %dma_wait3A] : memref<32x65536xi32, #tpu.memory_space<hbm>> -> memref<1x65536xi32, #tpu.memory_space<hbm>>
      %dma_wait3A_29 = tpu.memref_squeeze %dma_wait3A_28 : memref<1x65536xi32, #tpu.memory_space<hbm>> -> memref<65536xi32, #tpu.memory_space<hbm>>
      %dma_wait3A_30 = arith.constant 0 : i32
      %dma_wait3A_31 = tpu.memref_slice %arg3[%add3A_21, %dma_wait3A_30] : memref<32x65536xi32, #tpu.memory_space<hbm>> -> memref<1x65536xi32, #tpu.memory_space<hbm>>
      %dma_wait3A_32 = tpu.memref_squeeze %dma_wait3A_31 : memref<1x65536xi32, #tpu.memory_space<hbm>> -> memref<65536xi32, #tpu.memory_space<hbm>>
      tpu.wait_dma2 semaphore(%run_scoped3A : memref<!tpu.dma_semaphore, #tpu.memory_space<semaphore_mem>>) src(%arg6 : memref<65536xi32, #tpu.memory_space<vmem>>) dst(%dma_wait3A_32 : memref<65536xi32, #tpu.memory_space<hbm>>)
      tpu.yield
    }) : () -> ()
    return
  }
}

#map = affine_map<(d0, d1) -> (0)>
#map1 = affine_map<(d0, d1) -> (0, 0)>
module attributes {stable_mosaic.version = 14 : i64} {
  func.func @pass1(%arg0: i32, %arg1: i32, %arg2: memref<8388608xf32, #tpu.memory_space<hbm>>, %arg3: memref<32x65536xi32, #tpu.memory_space<hbm>>, %arg4: memref<4096xf32, #tpu.memory_space<vmem>>, %arg5: memref<4096xf32, #tpu.memory_space<vmem>>, %arg6: memref<65536xi32, #tpu.memory_space<vmem>>, %arg7: memref<!tpu.dma_semaphore, #tpu.memory_space<semaphore_mem>>, %arg8: memref<!tpu.dma_semaphore, #tpu.memory_space<semaphore_mem>>) attributes {dimension_semantics = [#tpu.dimension_semantics<core_parallel>, #tpu.dimension_semantics<subcore_parallel>], iteration_bounds = array<i64: 2, 16>, scalar_prefetch = 0 : i64, scratch_operands = 5 : i64, tpu.core_type = #tpu.core_type<sc_vector_subcore>, window_params = [{transform_indices = #map}, {transform_indices = #map1}]} {
    %broadcast_in_dim3A = arith.constant 1 : i32
    %broadcast_in_dim3A_0 = vector.broadcast %broadcast_in_dim3A : i32 to vector<16xi32>
    %broadcast_in_dim3A_1 = arith.constant 0 : i32
    %broadcast_in_dim3A_2 = vector.broadcast %broadcast_in_dim3A_1 : i32 to vector<16xi32>
    %scan3A = arith.constant 0 : i32
    %scan3A_3 = arith.constant 4096 : i32
    %scan3A_4 = arith.addi %scan3A, %scan3A_3 : i32
    %scan3A_5 = arith.constant 1 : i32
    scf.for %scan3A_22 = %scan3A to %scan3A_4 step %scan3A_5  : i32 {
      %mul3A_23 = arith.constant 16 : i32
      %mul3A_24 = arith.muli %scan3A_22, %mul3A_23 : i32
      %swap3A = arith.index_cast %mul3A_24 : i32 to index
      %swap3A_25 = tpu.vector_load %arg6[%swap3A] {strides = array<i32>} : memref<65536xi32, #tpu.memory_space<vmem>>, vector<16xi32>,
      tpu.vector_store %arg6[%swap3A], %broadcast_in_dim3A_2 {strides = array<i32>} : memref<65536xi32, #tpu.memory_space<vmem>>, vector<16xi32>,
    }
    %scan3A_6 = arith.constant 4096 : i32
    %mul3A = arith.constant 2 : i32
    %mul3A_7 = arith.muli %arg1, %mul3A : i32
    %add3A = arith.addi %mul3A_7, %arg0 : i32
    %mul3A_8 = arith.constant 262144 : i32
    %mul3A_9 = arith.muli %add3A, %mul3A_8 : i32
    %add3A_10 = arith.constant 0 : i32
    %add3A_11 = arith.addi %mul3A_9, %add3A_10 : i32
    %multiple_of3A = tpu.assume_multiple %add3A_11, 4096 : i32
    %dma_start3A = tpu.memref_slice %arg2[%multiple_of3A] : memref<8388608xf32, #tpu.memory_space<hbm>> -> memref<4096xf32, #tpu.memory_space<hbm>>
    %dma_start3A_12 = tpu.memref_slice %arg2[%multiple_of3A] : memref<8388608xf32, #tpu.memory_space<hbm>> -> memref<4096xf32, #tpu.memory_space<hbm>>
    tpu.enqueue_dma source(%dma_start3A_12 : memref<4096xf32, #tpu.memory_space<hbm>>) target(%arg4 : memref<4096xf32, #tpu.memory_space<vmem>>) target_semaphore(%arg7 : memref<!tpu.dma_semaphore, #tpu.memory_space<semaphore_mem>>)
    %scan3A_13 = arith.constant 0 : i32
    %scan3A_14 = arith.constant 0 : i32
    %scan3A_15 = arith.constant 32 : i32
    %scan3A_16 = arith.addi %scan3A_14, %scan3A_15 : i32
    %scan3A_17 = arith.constant 1 : i32
    scf.for %scan3A_22 = %scan3A_14 to %scan3A_16 step %scan3A_17  : i32 {
      %mul3A_23 = arith.constant 2 : i32
      %mul3A_24 = arith.muli %scan3A_22, %mul3A_23 : i32
      %add3A_25 = arith.constant 1 : i32
      %add3A_26 = arith.addi %mul3A_24, %add3A_25 : i32
      %mul3A_27 = arith.constant 4096 : i32
      %mul3A_28 = arith.muli %add3A_26, %mul3A_27 : i32
      %add3A_29 = arith.addi %mul3A_9, %mul3A_28 : i32
      %multiple_of3A_30 = tpu.assume_multiple %add3A_29, 4096 : i32
      %dma_start3A_31 = tpu.memref_slice %arg2[%multiple_of3A_30] : memref<8388608xf32, #tpu.memory_space<hbm>> -> memref<4096xf32, #tpu.memory_space<hbm>>
      %dma_start3A_32 = tpu.memref_slice %arg2[%multiple_of3A_30] : memref<8388608xf32, #tpu.memory_space<hbm>> -> memref<4096xf32, #tpu.memory_space<hbm>>
      tpu.enqueue_dma source(%dma_start3A_32 : memref<4096xf32, #tpu.memory_space<hbm>>) target(%arg5 : memref<4096xf32, #tpu.memory_space<vmem>>) target_semaphore(%arg8 : memref<!tpu.dma_semaphore, #tpu.memory_space<semaphore_mem>>)
      %dma_wait3A = arith.constant 0 : i32
      %dma_wait3A_33 = tpu.memref_slice %arg2[%dma_wait3A] : memref<8388608xf32, #tpu.memory_space<hbm>> -> memref<4096xf32, #tpu.memory_space<hbm>>
      %dma_wait3A_34 = arith.constant 0 : i32
      %dma_wait3A_35 = tpu.memref_slice %arg2[%dma_wait3A_34] : memref<8388608xf32, #tpu.memory_space<hbm>> -> memref<4096xf32, #tpu.memory_space<hbm>>
      tpu.wait_dma2 semaphore(%arg7 : memref<!tpu.dma_semaphore, #tpu.memory_space<semaphore_mem>>) src(%dma_wait3A_35 : memref<4096xf32, #tpu.memory_space<hbm>>) dst(%arg4 : memref<4096xf32, #tpu.memory_space<vmem>>)
      %scan3A_36 = arith.constant 0 : i32
      %scan3A_37 = arith.constant 64 : i32
      %scan3A_38 = arith.addi %scan3A_36, %scan3A_37 : i32
      %scan3A_39 = arith.constant 1 : i32
      scf.for %scan3A_54 = %scan3A_36 to %scan3A_38 step %scan3A_39  : i32 {
        %mul3A_55 = arith.constant 4 : i32
        %mul3A_56 = arith.muli %scan3A_54, %mul3A_55 : i32
        %add3A_57 = arith.constant 0 : i32
        %add3A_58 = arith.addi %mul3A_56, %add3A_57 : i32
        %mul3A_59 = arith.constant 16 : i32
        %mul3A_60 = arith.muli %add3A_58, %mul3A_59 : i32
        %get3A = arith.index_cast %mul3A_60 : i32 to index
        %get3A_61 = tpu.vector_load %arg4[%get3A] {strides = array<i32>} : memref<4096xf32, #tpu.memory_space<vmem>>, vector<16xf32>,
        %bitcast_convert_type3A = tpu.bitcast %get3A_61 : vector<16xf32> -> vector<16xi32>
        %shift_right_arithmetic3A = arith.constant 15 : i32
        %shift_right_arithmetic3A_62 = vector.broadcast %shift_right_arithmetic3A : i32 to vector<16xi32>
        %shift_right_arithmetic3A_63 = arith.shrsi %bitcast_convert_type3A, %shift_right_arithmetic3A_62 : vector<16xi32>
        tpu.vector_store_idx %arg6[%shift_right_arithmetic3A_63], %broadcast_in_dim3A_0 {add = true} : memref<65536xi32, #tpu.memory_space<vmem>>[vector<16xi32>], vector<16xi32>,
        %mul3A_64 = arith.constant 4 : i32
        %mul3A_65 = arith.muli %scan3A_54, %mul3A_64 : i32
        %add3A_66 = arith.constant 1 : i32
        %add3A_67 = arith.addi %mul3A_65, %add3A_66 : i32
        %mul3A_68 = arith.constant 16 : i32
        %mul3A_69 = arith.muli %add3A_67, %mul3A_68 : i32
        %get3A_70 = arith.index_cast %mul3A_69 : i32 to index
        %get3A_71 = tpu.vector_load %arg4[%get3A_70] {strides = array<i32>} : memref<4096xf32, #tpu.memory_space<vmem>>, vector<16xf32>,
        %bitcast_convert_type3A_72 = tpu.bitcast %get3A_71 : vector<16xf32> -> vector<16xi32>
        %shift_right_arithmetic3A_73 = arith.constant 15 : i32
        %shift_right_arithmetic3A_74 = vector.broadcast %shift_right_arithmetic3A_73 : i32 to vector<16xi32>
        %shift_right_arithmetic3A_75 = arith.shrsi %bitcast_convert_type3A_72, %shift_right_arithmetic3A_74 : vector<16xi32>
        tpu.vector_store_idx %arg6[%shift_right_arithmetic3A_75], %broadcast_in_dim3A_0 {add = true} : memref<65536xi32, #tpu.memory_space<vmem>>[vector<16xi32>], vector<16xi32>,
        %mul3A_76 = arith.constant 4 : i32
        %mul3A_77 = arith.muli %scan3A_54, %mul3A_76 : i32
        %add3A_78 = arith.constant 2 : i32
        %add3A_79 = arith.addi %mul3A_77, %add3A_78 : i32
        %mul3A_80 = arith.constant 16 : i32
        %mul3A_81 = arith.muli %add3A_79, %mul3A_80 : i32
        %get3A_82 = arith.index_cast %mul3A_81 : i32 to index
        %get3A_83 = tpu.vector_load %arg4[%get3A_82] {strides = array<i32>} : memref<4096xf32, #tpu.memory_space<vmem>>, vector<16xf32>,
        %bitcast_convert_type3A_84 = tpu.bitcast %get3A_83 : vector<16xf32> -> vector<16xi32>
        %shift_right_arithmetic3A_85 = arith.constant 15 : i32
        %shift_right_arithmetic3A_86 = vector.broadcast %shift_right_arithmetic3A_85 : i32 to vector<16xi32>
        %shift_right_arithmetic3A_87 = arith.shrsi %bitcast_convert_type3A_84, %shift_right_arithmetic3A_86 : vector<16xi32>
        tpu.vector_store_idx %arg6[%shift_right_arithmetic3A_87], %broadcast_in_dim3A_0 {add = true} : memref<65536xi32, #tpu.memory_space<vmem>>[vector<16xi32>], vector<16xi32>,
        %mul3A_88 = arith.constant 4 : i32
        %mul3A_89 = arith.muli %scan3A_54, %mul3A_88 : i32
        %add3A_90 = arith.constant 3 : i32
        %add3A_91 = arith.addi %mul3A_89, %add3A_90 : i32
        %mul3A_92 = arith.constant 16 : i32
        %mul3A_93 = arith.muli %add3A_91, %mul3A_92 : i32
        %get3A_94 = arith.index_cast %mul3A_93 : i32 to index
        %get3A_95 = tpu.vector_load %arg4[%get3A_94] {strides = array<i32>} : memref<4096xf32, #tpu.memory_space<vmem>>, vector<16xf32>,
        %bitcast_convert_type3A_96 = tpu.bitcast %get3A_95 : vector<16xf32> -> vector<16xi32>
        %shift_right_arithmetic3A_97 = arith.constant 15 : i32
        %shift_right_arithmetic3A_98 = vector.broadcast %shift_right_arithmetic3A_97 : i32 to vector<16xi32>
        %shift_right_arithmetic3A_99 = arith.shrsi %bitcast_convert_type3A_96, %shift_right_arithmetic3A_98 : vector<16xi32>
        tpu.vector_store_idx %arg6[%shift_right_arithmetic3A_99], %broadcast_in_dim3A_0 {add = true} : memref<65536xi32, #tpu.memory_space<vmem>>[vector<16xi32>], vector<16xi32>,
      }
      %scan3A_40 = arith.constant 64 : i32
      %add3A_41 = arith.constant 2 : i32
      %add3A_42 = arith.addi %mul3A_24, %add3A_41 : i32
      %lt3A = arith.constant 64 : i32
      %lt3A_43 = arith.cmpi slt, %add3A_42, %lt3A : i32
      %convert_element_type3A = arith.extui %lt3A_43 : i1 to i32
      %cond3A = arith.constant 0 : i32
      %cond3A_44 = arith.cmpi ne, %convert_element_type3A, %cond3A : i32
      scf.if %cond3A_44 {
        %add3A_54 = arith.constant 2 : i32
        %add3A_55 = arith.addi %mul3A_24, %add3A_54 : i32
        %mul3A_56 = arith.constant 4096 : i32
        %mul3A_57 = arith.muli %add3A_55, %mul3A_56 : i32
        %add3A_58 = arith.addi %mul3A_9, %mul3A_57 : i32
        %multiple_of3A_59 = tpu.assume_multiple %add3A_58, 4096 : i32
        %dma_start3A_60 = tpu.memref_slice %arg2[%multiple_of3A_59] : memref<8388608xf32, #tpu.memory_space<hbm>> -> memref<4096xf32, #tpu.memory_space<hbm>>
        %dma_start3A_61 = tpu.memref_slice %arg2[%multiple_of3A_59] : memref<8388608xf32, #tpu.memory_space<hbm>> -> memref<4096xf32, #tpu.memory_space<hbm>>
        tpu.enqueue_dma source(%dma_start3A_61 : memref<4096xf32, #tpu.memory_space<hbm>>) target(%arg4 : memref<4096xf32, #tpu.memory_space<vmem>>) target_semaphore(%arg7 : memref<!tpu.dma_semaphore, #tpu.memory_space<semaphore_mem>>)
      } else {
      }
      %dma_wait3A_45 = arith.constant 0 : i32
      %dma_wait3A_46 = tpu.memref_slice %arg2[%dma_wait3A_45] : memref<8388608xf32, #tpu.memory_space<hbm>> -> memref<4096xf32, #tpu.memory_space<hbm>>
      %dma_wait3A_47 = arith.constant 0 : i32
      %dma_wait3A_48 = tpu.memref_slice %arg2[%dma_wait3A_47] : memref<8388608xf32, #tpu.memory_space<hbm>> -> memref<4096xf32, #tpu.memory_space<hbm>>
      tpu.wait_dma2 semaphore(%arg8 : memref<!tpu.dma_semaphore, #tpu.memory_space<semaphore_mem>>) src(%dma_wait3A_48 : memref<4096xf32, #tpu.memory_space<hbm>>) dst(%arg5 : memref<4096xf32, #tpu.memory_space<vmem>>)
      %scan3A_49 = arith.constant 0 : i32
      %scan3A_50 = arith.constant 64 : i32
      %scan3A_51 = arith.addi %scan3A_49, %scan3A_50 : i32
      %scan3A_52 = arith.constant 1 : i32
      scf.for %scan3A_54 = %scan3A_49 to %scan3A_51 step %scan3A_52  : i32 {
        %mul3A_55 = arith.constant 4 : i32
        %mul3A_56 = arith.muli %scan3A_54, %mul3A_55 : i32
        %add3A_57 = arith.constant 0 : i32
        %add3A_58 = arith.addi %mul3A_56, %add3A_57 : i32
        %mul3A_59 = arith.constant 16 : i32
        %mul3A_60 = arith.muli %add3A_58, %mul3A_59 : i32
        %get3A = arith.index_cast %mul3A_60 : i32 to index
        %get3A_61 = tpu.vector_load %arg5[%get3A] {strides = array<i32>} : memref<4096xf32, #tpu.memory_space<vmem>>, vector<16xf32>,
        %bitcast_convert_type3A = tpu.bitcast %get3A_61 : vector<16xf32> -> vector<16xi32>
        %shift_right_arithmetic3A = arith.constant 15 : i32
        %shift_right_arithmetic3A_62 = vector.broadcast %shift_right_arithmetic3A : i32 to vector<16xi32>
        %shift_right_arithmetic3A_63 = arith.shrsi %bitcast_convert_type3A, %shift_right_arithmetic3A_62 : vector<16xi32>
        tpu.vector_store_idx %arg6[%shift_right_arithmetic3A_63], %broadcast_in_dim3A_0 {add = true} : memref<65536xi32, #tpu.memory_space<vmem>>[vector<16xi32>], vector<16xi32>,
        %mul3A_64 = arith.constant 4 : i32
        %mul3A_65 = arith.muli %scan3A_54, %mul3A_64 : i32
        %add3A_66 = arith.constant 1 : i32
        %add3A_67 = arith.addi %mul3A_65, %add3A_66 : i32
        %mul3A_68 = arith.constant 16 : i32
        %mul3A_69 = arith.muli %add3A_67, %mul3A_68 : i32
        %get3A_70 = arith.index_cast %mul3A_69 : i32 to index
        %get3A_71 = tpu.vector_load %arg5[%get3A_70] {strides = array<i32>} : memref<4096xf32, #tpu.memory_space<vmem>>, vector<16xf32>,
        %bitcast_convert_type3A_72 = tpu.bitcast %get3A_71 : vector<16xf32> -> vector<16xi32>
        %shift_right_arithmetic3A_73 = arith.constant 15 : i32
        %shift_right_arithmetic3A_74 = vector.broadcast %shift_right_arithmetic3A_73 : i32 to vector<16xi32>
        %shift_right_arithmetic3A_75 = arith.shrsi %bitcast_convert_type3A_72, %shift_right_arithmetic3A_74 : vector<16xi32>
        tpu.vector_store_idx %arg6[%shift_right_arithmetic3A_75], %broadcast_in_dim3A_0 {add = true} : memref<65536xi32, #tpu.memory_space<vmem>>[vector<16xi32>], vector<16xi32>,
        %mul3A_76 = arith.constant 4 : i32
        %mul3A_77 = arith.muli %scan3A_54, %mul3A_76 : i32
        %add3A_78 = arith.constant 2 : i32
        %add3A_79 = arith.addi %mul3A_77, %add3A_78 : i32
        %mul3A_80 = arith.constant 16 : i32
        %mul3A_81 = arith.muli %add3A_79, %mul3A_80 : i32
        %get3A_82 = arith.index_cast %mul3A_81 : i32 to index
        %get3A_83 = tpu.vector_load %arg5[%get3A_82] {strides = array<i32>} : memref<4096xf32, #tpu.memory_space<vmem>>, vector<16xf32>,
        %bitcast_convert_type3A_84 = tpu.bitcast %get3A_83 : vector<16xf32> -> vector<16xi32>
        %shift_right_arithmetic3A_85 = arith.constant 15 : i32
        %shift_right_arithmetic3A_86 = vector.broadcast %shift_right_arithmetic3A_85 : i32 to vector<16xi32>
        %shift_right_arithmetic3A_87 = arith.shrsi %bitcast_convert_type3A_84, %shift_right_arithmetic3A_86 : vector<16xi32>
        tpu.vector_store_idx %arg6[%shift_right_arithmetic3A_87], %broadcast_in_dim3A_0 {add = true} : memref<65536xi32, #tpu.memory_space<vmem>>[vector<16xi32>], vector<16xi32>,
        %mul3A_88 = arith.constant 4 : i32
        %mul3A_89 = arith.muli %scan3A_54, %mul3A_88 : i32
        %add3A_90 = arith.constant 3 : i32
        %add3A_91 = arith.addi %mul3A_89, %add3A_90 : i32
        %mul3A_92 = arith.constant 16 : i32
        %mul3A_93 = arith.muli %add3A_91, %mul3A_92 : i32
        %get3A_94 = arith.index_cast %mul3A_93 : i32 to index
        %get3A_95 = tpu.vector_load %arg5[%get3A_94] {strides = array<i32>} : memref<4096xf32, #tpu.memory_space<vmem>>, vector<16xf32>,
        %bitcast_convert_type3A_96 = tpu.bitcast %get3A_95 : vector<16xf32> -> vector<16xi32>
        %shift_right_arithmetic3A_97 = arith.constant 15 : i32
        %shift_right_arithmetic3A_98 = vector.broadcast %shift_right_arithmetic3A_97 : i32 to vector<16xi32>
        %shift_right_arithmetic3A_99 = arith.shrsi %bitcast_convert_type3A_96, %shift_right_arithmetic3A_98 : vector<16xi32>
        tpu.vector_store_idx %arg6[%shift_right_arithmetic3A_99], %broadcast_in_dim3A_0 {add = true} : memref<65536xi32, #tpu.memory_space<vmem>>[vector<16xi32>], vector<16xi32>,
      }
      %scan3A_53 = arith.constant 64 : i32
    }
    %scan3A_18 = arith.constant 32 : i32
    %mul3A_19 = arith.constant 2 : i32
    %mul3A_20 = arith.muli %arg1, %mul3A_19 : i32
    %add3A_21 = arith.addi %mul3A_20, %arg0 : i32
    "tpu.region"() ({
      %run_scoped3A = tpu.sem_alloc : memref<!tpu.dma_semaphore, #tpu.memory_space<semaphore_mem>>
      %dma_start3A_22 = arith.constant 0 : i32
      %dma_start3A_23 = tpu.memref_slice %arg3[%add3A_21, %dma_start3A_22] : memref<32x65536xi32, #tpu.memory_space<hbm>> -> memref<1x65536xi32, #tpu.memory_space<hbm>>
      %dma_start3A_24 = tpu.memref_squeeze %dma_start3A_23 : memref<1x65536xi32, #tpu.memory_space<hbm>> -> memref<65536xi32, #tpu.memory_space<hbm>>
      %dma_start3A_25 = arith.constant 0 : i32
      %dma_start3A_26 = tpu.memref_slice %arg3[%add3A_21, %dma_start3A_25] : memref<32x65536xi32, #tpu.memory_space<hbm>> -> memref<1x65536xi32, #tpu.memory_space<hbm>>
      %dma_start3A_27 = tpu.memref_squeeze %dma_start3A_26 : memref<1x65536xi32, #tpu.memory_space<hbm>> -> memref<65536xi32, #tpu.memory_space<hbm>>
      tpu.enqueue_dma source(%arg6 : memref<65536xi32, #tpu.memory_space<vmem>>) target(%dma_start3A_27 : memref<65536xi32, #tpu.memory_space<hbm>>) target_semaphore(%run_scoped3A : memref<!tpu.dma_semaphore, #tpu.memory_space<semaphore_mem>>)
      %dma_wait3A = arith.constant 0 : i32
      %dma_wait3A_28 = tpu.memref_slice %arg3[%add3A_21, %dma_wait3A] : memref<32x65536xi32, #tpu.memory_space<hbm>> -> memref<1x65536xi32, #tpu.memory_space<hbm>>
      %dma_wait3A_29 = tpu.memref_squeeze %dma_wait3A_28 : memref<1x65536xi32, #tpu.memory_space<hbm>> -> memref<65536xi32, #tpu.memory_space<hbm>>
      %dma_wait3A_30 = arith.constant 0 : i32
      %dma_wait3A_31 = tpu.memref_slice %arg3[%add3A_21, %dma_wait3A_30] : memref<32x65536xi32, #tpu.memory_space<hbm>> -> memref<1x65536xi32, #tpu.memory_space<hbm>>
      %dma_wait3A_32 = tpu.memref_squeeze %dma_wait3A_31 : memref<1x65536xi32, #tpu.memory_space<hbm>> -> memref<65536xi32, #tpu.memory_space<hbm>>
      tpu.wait_dma2 semaphore(%run_scoped3A : memref<!tpu.dma_semaphore, #tpu.memory_space<semaphore_mem>>) src(%arg6 : memref<65536xi32, #tpu.memory_space<vmem>>) dst(%dma_wait3A_32 : memref<65536xi32, #tpu.memory_space<hbm>>)
      tpu.yield
    }) : () -> ()
    return
  }
}

module attributes {stable_mosaic.version = 14 : i64} {
  func.func @body(%arg0: i32, %arg1: memref<1x512x1024xf32, #tpu.memory_space<vmem>>, %arg2: memref<1x512x1024xf32, #tpu.memory_space<vmem>>, %arg3: memref<524288xf32, #tpu.memory_space<vmem>>) attributes {dimension_semantics = [#tpu.dimension_semantics<arbitrary>], iteration_bounds = array<i64: 16>, scalar_prefetch = 0 : i64, scratch_operands = 0 : i64, tpu.core_type = #tpu.core_type<tc>, window_params = [{transform_indices = @transform_0, window_bounds = array<i64: 1, 512, 1024>}, {transform_indices = @transform_1, window_bounds = array<i64: 1, 512, 1024>}, {transform_indices = @transform_2, window_bounds = array<i64: 524288>}]} {
    %get3A = arith.constant 0 : index
    %get3A_0 = arith.constant 0 : index
    %get3A_1 = arith.constant 0 : index
    %get3A_2 = vector.load %arg1[%get3A, %get3A_0, %get3A_1] : memref<1x512x1024xf32, #tpu.memory_space<vmem>>, vector<1x512x1024xf32>
    %get3A_3 = arith.constant 0 : index
    %get3A_4 = arith.constant 0 : index
    %get3A_5 = arith.constant 0 : index
    %get3A_6 = vector.load %arg2[%get3A_3, %get3A_4, %get3A_5] : memref<1x512x1024xf32, #tpu.memory_space<vmem>>, vector<1x512x1024xf32>
    %sub3A = arith.subf %get3A_2, %get3A_6 : vector<1x512x1024xf32>
    %mul3A = arith.mulf %sub3A, %sub3A : vector<1x512x1024xf32>
    %reshape3A = vector.shape_cast %mul3A : vector<1x512x1024xf32> to vector<524288xf32>
    %swap3A = arith.constant 0 : index
    %swap3A_7 = vector.load %arg3[%swap3A] : memref<524288xf32, #tpu.memory_space<vmem>>, vector<524288xf32>
    tpu.vector_store %arg3[%swap3A], %reshape3A {strides = array<i32>} : memref<524288xf32, #tpu.memory_space<vmem>>, vector<524288xf32>,
    return
  }
  func.func @transform_0(%arg0: i32) -> (i32, i32, i32) {
    %jit3A = arith.constant 8 : i32
    %div3A = arith.divsi %arg0, %jit3A : i32
    %sign3A = arith.constant 0 : i32
    %sign3A_0 = arith.cmpi sgt, %arg0, %sign3A : i32
    %sign3A_1 = arith.extui %sign3A_0 : i1 to i32
    %sign3A_2 = arith.constant 0 : i32
    %sign3A_3 = arith.cmpi slt, %arg0, %sign3A_2 : i32
    %sign3A_4 = arith.extui %sign3A_3 : i1 to i32
    %sign3A_5 = arith.subi %sign3A_1, %sign3A_4 : i32
    %sign3A_6 = arith.constant 0 : i32
    %sign3A_7 = arith.cmpi sgt, %jit3A, %sign3A_6 : i32
    %sign3A_8 = arith.extui %sign3A_7 : i1 to i32
    %sign3A_9 = arith.constant 0 : i32
    %sign3A_10 = arith.cmpi slt, %jit3A, %sign3A_9 : i32
    %sign3A_11 = arith.extui %sign3A_10 : i1 to i32
    %sign3A_12 = arith.subi %sign3A_8, %sign3A_11 : i32
    %ne3A = arith.cmpi ne, %sign3A_5, %sign3A_12 : i32
    %rem3A = arith.remsi %arg0, %jit3A : i32
    %ne3A_13 = arith.constant 0 : i32
    %ne3A_14 = arith.cmpi ne, %rem3A, %ne3A_13 : i32
    %and3A = arith.andi %ne3A, %ne3A_14 : i1
    %sub3A = arith.constant 1 : i32
    %sub3A_15 = arith.subi %div3A, %sub3A : i32
    %select_n3A = arith.select %and3A, %sub3A_15, %div3A : i32
    %add3A = arith.constant 0 : i32
    %add3A_16 = arith.addi %add3A, %select_n3A : i32
    %jit3A_17 = arith.constant 8 : i32
    %eq3A = arith.constant 0 : i32
    %eq3A_18 = arith.cmpi eq, %jit3A_17, %eq3A : i32
    %jit3A_19 = arith.constant 1 : i32
    %select_n3A_20 = arith.select %eq3A_18, %jit3A_19, %jit3A_17 : i32
    %rem3A_21 = arith.remsi %arg0, %select_n3A_20 : i32
    %ne3A_22 = arith.constant 0 : i32
    %ne3A_23 = arith.cmpi ne, %rem3A_21, %ne3A_22 : i32
    %lt3A = arith.constant 0 : i32
    %lt3A_24 = arith.cmpi slt, %rem3A_21, %lt3A : i32
    %lt3A_25 = arith.constant 0 : i32
    %lt3A_26 = arith.cmpi slt, %select_n3A_20, %lt3A_25 : i32
    %ne3A_27 = arith.xori %lt3A_24, %lt3A_26 : i1
    %and3A_28 = arith.andi %ne3A_27, %ne3A_23 : i1
    %add3A_29 = arith.addi %rem3A_21, %select_n3A_20 : i32
    %select_n3A_30 = arith.select %and3A_28, %add3A_29, %rem3A_21 : i32
    %c0_i32 = arith.constant 0 : i32
    %c0_i32_31 = arith.constant 0 : i32
    return %add3A_16, %select_n3A_30, %c0_i32 : i32, i32, i32
  }
  func.func @transform_1(%arg0: i32) -> (i32, i32, i32) {
    %jit3A = arith.constant 8 : i32
    %div3A = arith.divsi %arg0, %jit3A : i32
    %sign3A = arith.constant 0 : i32
    %sign3A_0 = arith.cmpi sgt, %arg0, %sign3A : i32
    %sign3A_1 = arith.extui %sign3A_0 : i1 to i32
    %sign3A_2 = arith.constant 0 : i32
    %sign3A_3 = arith.cmpi slt, %arg0, %sign3A_2 : i32
    %sign3A_4 = arith.extui %sign3A_3 : i1 to i32
    %sign3A_5 = arith.subi %sign3A_1, %sign3A_4 : i32
    %sign3A_6 = arith.constant 0 : i32
    %sign3A_7 = arith.cmpi sgt, %jit3A, %sign3A_6 : i32
    %sign3A_8 = arith.extui %sign3A_7 : i1 to i32
    %sign3A_9 = arith.constant 0 : i32
    %sign3A_10 = arith.cmpi slt, %jit3A, %sign3A_9 : i32
    %sign3A_11 = arith.extui %sign3A_10 : i1 to i32
    %sign3A_12 = arith.subi %sign3A_8, %sign3A_11 : i32
    %ne3A = arith.cmpi ne, %sign3A_5, %sign3A_12 : i32
    %rem3A = arith.remsi %arg0, %jit3A : i32
    %ne3A_13 = arith.constant 0 : i32
    %ne3A_14 = arith.cmpi ne, %rem3A, %ne3A_13 : i32
    %and3A = arith.andi %ne3A, %ne3A_14 : i1
    %sub3A = arith.constant 1 : i32
    %sub3A_15 = arith.subi %div3A, %sub3A : i32
    %select_n3A = arith.select %and3A, %sub3A_15, %div3A : i32
    %add3A = arith.constant 0 : i32
    %add3A_16 = arith.addi %add3A, %select_n3A : i32
    %jit3A_17 = arith.constant 8 : i32
    %eq3A = arith.constant 0 : i32
    %eq3A_18 = arith.cmpi eq, %jit3A_17, %eq3A : i32
    %jit3A_19 = arith.constant 1 : i32
    %select_n3A_20 = arith.select %eq3A_18, %jit3A_19, %jit3A_17 : i32
    %rem3A_21 = arith.remsi %arg0, %select_n3A_20 : i32
    %ne3A_22 = arith.constant 0 : i32
    %ne3A_23 = arith.cmpi ne, %rem3A_21, %ne3A_22 : i32
    %lt3A = arith.constant 0 : i32
    %lt3A_24 = arith.cmpi slt, %rem3A_21, %lt3A : i32
    %lt3A_25 = arith.constant 0 : i32
    %lt3A_26 = arith.cmpi slt, %select_n3A_20, %lt3A_25 : i32
    %ne3A_27 = arith.xori %lt3A_24, %lt3A_26 : i1
    %and3A_28 = arith.andi %ne3A_27, %ne3A_23 : i1
    %add3A_29 = arith.addi %rem3A_21, %select_n3A_20 : i32
    %select_n3A_30 = arith.select %and3A_28, %add3A_29, %rem3A_21 : i32
    %c0_i32 = arith.constant 0 : i32
    %c0_i32_31 = arith.constant 0 : i32
    return %add3A_16, %select_n3A_30, %c0_i32 : i32, i32, i32
  }
  func.func @transform_2(%arg0: i32) -> i32 {
    %c0_i32 = arith.constant 0 : i32
    return %arg0 : i32
  }
}

module attributes {stable_mosaic.version = 14 : i64} {
  func.func @body(%arg0: i32, %arg1: memref<1x512x1024xf32, #tpu.memory_space<vmem>>, %arg2: memref<1x512x1024xf32, #tpu.memory_space<vmem>>, %arg3: memref<524288xf32, #tpu.memory_space<vmem>>) attributes {dimension_semantics = [#tpu.dimension_semantics<arbitrary>], iteration_bounds = array<i64: 16>, scalar_prefetch = 0 : i64, scratch_operands = 0 : i64, tpu.core_type = #tpu.core_type<tc>, window_params = [{transform_indices = @transform_0, window_bounds = array<i64: 1, 512, 1024>}, {transform_indices = @transform_1, window_bounds = array<i64: 1, 512, 1024>}, {transform_indices = @transform_2, window_bounds = array<i64: 524288>}]} {
    %get3A = arith.constant 0 : index
    %get3A_0 = arith.constant 0 : index
    %get3A_1 = arith.constant 0 : index
    %get3A_2 = vector.load %arg1[%get3A, %get3A_0, %get3A_1] : memref<1x512x1024xf32, #tpu.memory_space<vmem>>, vector<1x512x1024xf32>
    %get3A_3 = arith.constant 0 : index
    %get3A_4 = arith.constant 0 : index
    %get3A_5 = arith.constant 0 : index
    %get3A_6 = vector.load %arg2[%get3A_3, %get3A_4, %get3A_5] : memref<1x512x1024xf32, #tpu.memory_space<vmem>>, vector<1x512x1024xf32>
    %sub3A = arith.subf %get3A_2, %get3A_6 : vector<1x512x1024xf32>
    %mul3A = arith.mulf %sub3A, %sub3A : vector<1x512x1024xf32>
    %reshape3A = vector.shape_cast %mul3A : vector<1x512x1024xf32> to vector<524288xf32>
    %swap3A = arith.constant 0 : index
    %swap3A_7 = vector.load %arg3[%swap3A] : memref<524288xf32, #tpu.memory_space<vmem>>, vector<524288xf32>
    tpu.vector_store %arg3[%swap3A], %reshape3A {strides = array<i32>} : memref<524288xf32, #tpu.memory_space<vmem>>, vector<524288xf32>,
    return
  }
  func.func @transform_0(%arg0: i32) -> (i32, i32, i32) {
    %jit3A = arith.constant 8 : i32
    %div3A = arith.divsi %arg0, %jit3A : i32
    %sign3A = arith.constant 0 : i32
    %sign3A_0 = arith.cmpi sgt, %arg0, %sign3A : i32
    %sign3A_1 = arith.extui %sign3A_0 : i1 to i32
    %sign3A_2 = arith.constant 0 : i32
    %sign3A_3 = arith.cmpi slt, %arg0, %sign3A_2 : i32
    %sign3A_4 = arith.extui %sign3A_3 : i1 to i32
    %sign3A_5 = arith.subi %sign3A_1, %sign3A_4 : i32
    %sign3A_6 = arith.constant 0 : i32
    %sign3A_7 = arith.cmpi sgt, %jit3A, %sign3A_6 : i32
    %sign3A_8 = arith.extui %sign3A_7 : i1 to i32
    %sign3A_9 = arith.constant 0 : i32
    %sign3A_10 = arith.cmpi slt, %jit3A, %sign3A_9 : i32
    %sign3A_11 = arith.extui %sign3A_10 : i1 to i32
    %sign3A_12 = arith.subi %sign3A_8, %sign3A_11 : i32
    %ne3A = arith.cmpi ne, %sign3A_5, %sign3A_12 : i32
    %rem3A = arith.remsi %arg0, %jit3A : i32
    %ne3A_13 = arith.constant 0 : i32
    %ne3A_14 = arith.cmpi ne, %rem3A, %ne3A_13 : i32
    %and3A = arith.andi %ne3A, %ne3A_14 : i1
    %sub3A = arith.constant 1 : i32
    %sub3A_15 = arith.subi %div3A, %sub3A : i32
    %select_n3A = arith.select %and3A, %sub3A_15, %div3A : i32
    %add3A = arith.constant 2 : i32
    %add3A_16 = arith.addi %add3A, %select_n3A : i32
    %jit3A_17 = arith.constant 8 : i32
    %eq3A = arith.constant 0 : i32
    %eq3A_18 = arith.cmpi eq, %jit3A_17, %eq3A : i32
    %jit3A_19 = arith.constant 1 : i32
    %select_n3A_20 = arith.select %eq3A_18, %jit3A_19, %jit3A_17 : i32
    %rem3A_21 = arith.remsi %arg0, %select_n3A_20 : i32
    %ne3A_22 = arith.constant 0 : i32
    %ne3A_23 = arith.cmpi ne, %rem3A_21, %ne3A_22 : i32
    %lt3A = arith.constant 0 : i32
    %lt3A_24 = arith.cmpi slt, %rem3A_21, %lt3A : i32
    %lt3A_25 = arith.constant 0 : i32
    %lt3A_26 = arith.cmpi slt, %select_n3A_20, %lt3A_25 : i32
    %ne3A_27 = arith.xori %lt3A_24, %lt3A_26 : i1
    %and3A_28 = arith.andi %ne3A_27, %ne3A_23 : i1
    %add3A_29 = arith.addi %rem3A_21, %select_n3A_20 : i32
    %select_n3A_30 = arith.select %and3A_28, %add3A_29, %rem3A_21 : i32
    %c0_i32 = arith.constant 0 : i32
    %c0_i32_31 = arith.constant 0 : i32
    return %add3A_16, %select_n3A_30, %c0_i32 : i32, i32, i32
  }
  func.func @transform_1(%arg0: i32) -> (i32, i32, i32) {
    %jit3A = arith.constant 8 : i32
    %div3A = arith.divsi %arg0, %jit3A : i32
    %sign3A = arith.constant 0 : i32
    %sign3A_0 = arith.cmpi sgt, %arg0, %sign3A : i32
    %sign3A_1 = arith.extui %sign3A_0 : i1 to i32
    %sign3A_2 = arith.constant 0 : i32
    %sign3A_3 = arith.cmpi slt, %arg0, %sign3A_2 : i32
    %sign3A_4 = arith.extui %sign3A_3 : i1 to i32
    %sign3A_5 = arith.subi %sign3A_1, %sign3A_4 : i32
    %sign3A_6 = arith.constant 0 : i32
    %sign3A_7 = arith.cmpi sgt, %jit3A, %sign3A_6 : i32
    %sign3A_8 = arith.extui %sign3A_7 : i1 to i32
    %sign3A_9 = arith.constant 0 : i32
    %sign3A_10 = arith.cmpi slt, %jit3A, %sign3A_9 : i32
    %sign3A_11 = arith.extui %sign3A_10 : i1 to i32
    %sign3A_12 = arith.subi %sign3A_8, %sign3A_11 : i32
    %ne3A = arith.cmpi ne, %sign3A_5, %sign3A_12 : i32
    %rem3A = arith.remsi %arg0, %jit3A : i32
    %ne3A_13 = arith.constant 0 : i32
    %ne3A_14 = arith.cmpi ne, %rem3A, %ne3A_13 : i32
    %and3A = arith.andi %ne3A, %ne3A_14 : i1
    %sub3A = arith.constant 1 : i32
    %sub3A_15 = arith.subi %div3A, %sub3A : i32
    %select_n3A = arith.select %and3A, %sub3A_15, %div3A : i32
    %add3A = arith.constant 2 : i32
    %add3A_16 = arith.addi %add3A, %select_n3A : i32
    %jit3A_17 = arith.constant 8 : i32
    %eq3A = arith.constant 0 : i32
    %eq3A_18 = arith.cmpi eq, %jit3A_17, %eq3A : i32
    %jit3A_19 = arith.constant 1 : i32
    %select_n3A_20 = arith.select %eq3A_18, %jit3A_19, %jit3A_17 : i32
    %rem3A_21 = arith.remsi %arg0, %select_n3A_20 : i32
    %ne3A_22 = arith.constant 0 : i32
    %ne3A_23 = arith.cmpi ne, %rem3A_21, %ne3A_22 : i32
    %lt3A = arith.constant 0 : i32
    %lt3A_24 = arith.cmpi slt, %rem3A_21, %lt3A : i32
    %lt3A_25 = arith.constant 0 : i32
    %lt3A_26 = arith.cmpi slt, %select_n3A_20, %lt3A_25 : i32
    %ne3A_27 = arith.xori %lt3A_24, %lt3A_26 : i1
    %and3A_28 = arith.andi %ne3A_27, %ne3A_23 : i1
    %add3A_29 = arith.addi %rem3A_21, %select_n3A_20 : i32
    %select_n3A_30 = arith.select %and3A_28, %add3A_29, %rem3A_21 : i32
    %c0_i32 = arith.constant 0 : i32
    %c0_i32_31 = arith.constant 0 : i32
    return %add3A_16, %select_n3A_30, %c0_i32 : i32, i32, i32
  }
  func.func @transform_2(%arg0: i32) -> i32 {
    %c0_i32 = arith.constant 0 : i32
    return %arg0 : i32
  }
}

module attributes {stable_mosaic.version = 14 : i64} {
  func.func @body(%arg0: i32, %arg1: memref<1x1xf32, #tpu.memory_space<smem>>, %arg2: memref<1x512x1024xf32, #tpu.memory_space<vmem>>, %arg3: memref<1x512x1024xf32, #tpu.memory_space<vmem>>, %arg4: memref<8x128xf32, #tpu.memory_space<vmem>>, %arg5: memref<8x128xi32, #tpu.memory_space<vmem>>) attributes {dimension_semantics = [#tpu.dimension_semantics<arbitrary>], iteration_bounds = array<i64: 32>, scalar_prefetch = 0 : i64, scratch_operands = 0 : i64, tpu.core_type = #tpu.core_type<tc>, window_params = [{transform_indices = @transform_0, window_bounds = array<i64: 1, 1>}, {transform_indices = @transform_1, window_bounds = array<i64: 1, 512, 1024>}, {transform_indices = @transform_2, window_bounds = array<i64: 1, 512, 1024>}, {pipeline_mode = #tpu.pipeline_mode<synchronous>, transform_indices = @transform_3, window_bounds = array<i64: 8, 128>}, {pipeline_mode = #tpu.pipeline_mode<synchronous>, transform_indices = @transform_4, window_bounds = array<i64: 8, 128>}]} {
    %eq3A = arith.constant 0 : i32
    %eq3A_0 = arith.cmpi eq, %arg0, %eq3A : i32
    %convert_element_type3A = arith.extui %eq3A_0 : i1 to i32
    %cond3A = arith.constant 0 : i32
    %cond3A_1 = arith.cmpi ne, %convert_element_type3A, %cond3A : i32
    scf.if %cond3A_1 {
      %broadcast_in_dim3A_37 = arith.constant 0.000000e+00 : f32
      %broadcast_in_dim3A_38 = vector.broadcast %broadcast_in_dim3A_37 : f32 to vector<8x128xf32>
      %swap3A_39 = arith.constant 0 : index
      %swap3A_40 = arith.constant 0 : index
      %swap3A_41 = vector.load %arg4[%swap3A_39, %swap3A_40] : memref<8x128xf32, #tpu.memory_space<vmem>>, vector<8x128xf32>
      tpu.vector_store %arg4[%swap3A_39, %swap3A_40], %broadcast_in_dim3A_38 {strides = array<i32>} : memref<8x128xf32, #tpu.memory_space<vmem>>, vector<8x128xf32>,
      %broadcast_in_dim3A_42 = arith.constant 0 : i32
      %broadcast_in_dim3A_43 = vector.broadcast %broadcast_in_dim3A_42 : i32 to vector<8x128xi32>
      %swap3A_44 = arith.constant 0 : index
      %swap3A_45 = arith.constant 0 : index
      %swap3A_46 = vector.load %arg5[%swap3A_44, %swap3A_45] : memref<8x128xi32, #tpu.memory_space<vmem>>, vector<8x128xi32>
      tpu.vector_store %arg5[%swap3A_44, %swap3A_45], %broadcast_in_dim3A_43 {strides = array<i32>} : memref<8x128xi32, #tpu.memory_space<vmem>>, vector<8x128xi32>,
    } else {
    }
    %get3A = arith.constant 0 : index
    %get3A_2 = arith.constant 0 : index
    %get3A_3 = arith.constant 0 : index
    %get3A_4 = vector.load %arg2[%get3A, %get3A_2, %get3A_3] : memref<1x512x1024xf32, #tpu.memory_space<vmem>>, vector<1x512x1024xf32>
    %get3A_5 = arith.constant 0 : index
    %get3A_6 = arith.constant 0 : index
    %get3A_7 = arith.constant 0 : index
    %get3A_8 = vector.load %arg3[%get3A_5, %get3A_6, %get3A_7] : memref<1x512x1024xf32, #tpu.memory_space<vmem>>, vector<1x512x1024xf32>
    %sub3A = arith.subf %get3A_4, %get3A_8 : vector<1x512x1024xf32>
    %mul3A = arith.mulf %sub3A, %sub3A : vector<1x512x1024xf32>
    %get3A_9 = arith.constant 0 : index
    %get3A_10 = arith.constant 0 : index
    %get3A_11 = memref.load %arg1[%get3A_9, %get3A_10] : memref<1x1xf32, #tpu.memory_space<smem>>
    %lt3A = vector.broadcast %get3A_11 : f32 to vector<1x512x1024xf32>
    %lt3A_12 = arith.cmpf olt, %mul3A, %lt3A : vector<1x512x1024xf32>
    %get3A_13 = arith.constant 0 : index
    %get3A_14 = arith.constant 0 : index
    %get3A_15 = vector.load %arg4[%get3A_13, %get3A_14] : memref<8x128xf32, #tpu.memory_space<vmem>>, vector<8x128xf32>
    %jit3A = arith.constant 0.000000e+00 : f32
    %broadcast_in_dim3A = vector.broadcast %jit3A : f32 to vector<1x512x1024xf32>
    %select_n3A = arith.select %lt3A_12, %mul3A, %broadcast_in_dim3A : vector<1x512x1024xi1>, vector<1x512x1024xf32>
    %reduce_sum3A = vector.shape_cast %select_n3A : vector<1x512x1024xf32> to vector<1x1x512x1024xf32>
    %reduce_sum3A_16 = arith.constant dense<0.000000e+00> : vector<1xf32>
    %reduce_sum3A_17 = vector.multi_reduction <add>, %reduce_sum3A, %reduce_sum3A_16 [1, 2, 3] : vector<1x1x512x1024xf32> to vector<1xf32>
    %reduce_sum3A_18 = vector.shape_cast %reduce_sum3A_17 : vector<1xf32> to vector<1x1x1x1xf32>
    %reduce_sum3A_19 = vector.extract %reduce_sum3A_18[0, 0, 0, 0] : f32 from vector<1x1x1x1xf32>
    %add3A = vector.broadcast %reduce_sum3A_19 : f32 to vector<8x128xf32>
    %add3A_20 = arith.addf %get3A_15, %add3A : vector<8x128xf32>
    %swap3A = arith.constant 0 : index
    %swap3A_21 = arith.constant 0 : index
    %swap3A_22 = vector.load %arg4[%swap3A, %swap3A_21] : memref<8x128xf32, #tpu.memory_space<vmem>>, vector<8x128xf32>
    tpu.vector_store %arg4[%swap3A, %swap3A_21], %add3A_20 {strides = array<i32>} : memref<8x128xf32, #tpu.memory_space<vmem>>, vector<8x128xf32>,
    %get3A_23 = arith.constant 0 : index
    %get3A_24 = arith.constant 0 : index
    %get3A_25 = vector.load %arg5[%get3A_23, %get3A_24] : memref<8x128xi32, #tpu.memory_space<vmem>>, vector<8x128xi32>
    %convert_element_type3A_26 = arith.extui %lt3A_12 : vector<1x512x1024xi1> to vector<1x512x1024xi32>
    %reduce_sum3A_27 = vector.shape_cast %convert_element_type3A_26 : vector<1x512x1024xi32> to vector<1x1x512x1024xi32>
    %reduce_sum3A_28 = arith.constant dense<0> : vector<1xi32>
    %reduce_sum3A_29 = vector.multi_reduction <add>, %reduce_sum3A_27, %reduce_sum3A_28 [1, 2, 3] : vector<1x1x512x1024xi32> to vector<1xi32>
    %reduce_sum3A_30 = vector.shape_cast %reduce_sum3A_29 : vector<1xi32> to vector<1x1x1x1xi32>
    %reduce_sum3A_31 = vector.extract %reduce_sum3A_30[0, 0, 0, 0] : i32 from vector<1x1x1x1xi32>
    %add3A_32 = vector.broadcast %reduce_sum3A_31 : i32 to vector<8x128xi32>
    %add3A_33 = arith.addi %get3A_25, %add3A_32 : vector<8x128xi32>
    %swap3A_34 = arith.constant 0 : index
    %swap3A_35 = arith.constant 0 : index
    %swap3A_36 = vector.load %arg5[%swap3A_34, %swap3A_35] : memref<8x128xi32, #tpu.memory_space<vmem>>, vector<8x128xi32>
    tpu.vector_store %arg5[%swap3A_34, %swap3A_35], %add3A_33 {strides = array<i32>} : memref<8x128xi32, #tpu.memory_space<vmem>>, vector<8x128xi32>,
    return
  }
  func.func @transform_0(%arg0: i32) -> (i32, i32) {
    %c0_i32 = arith.constant 0 : i32
    %c0_i32_0 = arith.constant 0 : i32
    %c0_i32_1 = arith.constant 0 : i32
    return %c0_i32, %c0_i32_0 : i32, i32
  }
  func.func @transform_1(%arg0: i32) -> (i32, i32, i32) {
    %jit3A = arith.constant 8 : i32
    %div3A = arith.divsi %arg0, %jit3A : i32
    %sign3A = arith.constant 0 : i32
    %sign3A_0 = arith.cmpi sgt, %arg0, %sign3A : i32
    %sign3A_1 = arith.extui %sign3A_0 : i1 to i32
    %sign3A_2 = arith.constant 0 : i32
    %sign3A_3 = arith.cmpi slt, %arg0, %sign3A_2 : i32
    %sign3A_4 = arith.extui %sign3A_3 : i1 to i32
    %sign3A_5 = arith.subi %sign3A_1, %sign3A_4 : i32
    %sign3A_6 = arith.constant 0 : i32
    %sign3A_7 = arith.cmpi sgt, %jit3A, %sign3A_6 : i32
    %sign3A_8 = arith.extui %sign3A_7 : i1 to i32
    %sign3A_9 = arith.constant 0 : i32
    %sign3A_10 = arith.cmpi slt, %jit3A, %sign3A_9 : i32
    %sign3A_11 = arith.extui %sign3A_10 : i1 to i32
    %sign3A_12 = arith.subi %sign3A_8, %sign3A_11 : i32
    %ne3A = arith.cmpi ne, %sign3A_5, %sign3A_12 : i32
    %rem3A = arith.remsi %arg0, %jit3A : i32
    %ne3A_13 = arith.constant 0 : i32
    %ne3A_14 = arith.cmpi ne, %rem3A, %ne3A_13 : i32
    %and3A = arith.andi %ne3A, %ne3A_14 : i1
    %sub3A = arith.constant 1 : i32
    %sub3A_15 = arith.subi %div3A, %sub3A : i32
    %select_n3A = arith.select %and3A, %sub3A_15, %div3A : i32
    %jit3A_16 = arith.constant 8 : i32
    %eq3A = arith.constant 0 : i32
    %eq3A_17 = arith.cmpi eq, %jit3A_16, %eq3A : i32
    %jit3A_18 = arith.constant 1 : i32
    %select_n3A_19 = arith.select %eq3A_17, %jit3A_18, %jit3A_16 : i32
    %rem3A_20 = arith.remsi %arg0, %select_n3A_19 : i32
    %ne3A_21 = arith.constant 0 : i32
    %ne3A_22 = arith.cmpi ne, %rem3A_20, %ne3A_21 : i32
    %lt3A = arith.constant 0 : i32
    %lt3A_23 = arith.cmpi slt, %rem3A_20, %lt3A : i32
    %lt3A_24 = arith.constant 0 : i32
    %lt3A_25 = arith.cmpi slt, %select_n3A_19, %lt3A_24 : i32
    %ne3A_26 = arith.xori %lt3A_23, %lt3A_25 : i1
    %and3A_27 = arith.andi %ne3A_26, %ne3A_22 : i1
    %add3A = arith.addi %rem3A_20, %select_n3A_19 : i32
    %select_n3A_28 = arith.select %and3A_27, %add3A, %rem3A_20 : i32
    %c0_i32 = arith.constant 0 : i32
    %c0_i32_29 = arith.constant 0 : i32
    return %select_n3A, %select_n3A_28, %c0_i32 : i32, i32, i32
  }
  func.func @transform_2(%arg0: i32) -> (i32, i32, i32) {
    %jit3A = arith.constant 8 : i32
    %div3A = arith.divsi %arg0, %jit3A : i32
    %sign3A = arith.constant 0 : i32
    %sign3A_0 = arith.cmpi sgt, %arg0, %sign3A : i32
    %sign3A_1 = arith.extui %sign3A_0 : i1 to i32
    %sign3A_2 = arith.constant 0 : i32
    %sign3A_3 = arith.cmpi slt, %arg0, %sign3A_2 : i32
    %sign3A_4 = arith.extui %sign3A_3 : i1 to i32
    %sign3A_5 = arith.subi %sign3A_1, %sign3A_4 : i32
    %sign3A_6 = arith.constant 0 : i32
    %sign3A_7 = arith.cmpi sgt, %jit3A, %sign3A_6 : i32
    %sign3A_8 = arith.extui %sign3A_7 : i1 to i32
    %sign3A_9 = arith.constant 0 : i32
    %sign3A_10 = arith.cmpi slt, %jit3A, %sign3A_9 : i32
    %sign3A_11 = arith.extui %sign3A_10 : i1 to i32
    %sign3A_12 = arith.subi %sign3A_8, %sign3A_11 : i32
    %ne3A = arith.cmpi ne, %sign3A_5, %sign3A_12 : i32
    %rem3A = arith.remsi %arg0, %jit3A : i32
    %ne3A_13 = arith.constant 0 : i32
    %ne3A_14 = arith.cmpi ne, %rem3A, %ne3A_13 : i32
    %and3A = arith.andi %ne3A, %ne3A_14 : i1
    %sub3A = arith.constant 1 : i32
    %sub3A_15 = arith.subi %div3A, %sub3A : i32
    %select_n3A = arith.select %and3A, %sub3A_15, %div3A : i32
    %jit3A_16 = arith.constant 8 : i32
    %eq3A = arith.constant 0 : i32
    %eq3A_17 = arith.cmpi eq, %jit3A_16, %eq3A : i32
    %jit3A_18 = arith.constant 1 : i32
    %select_n3A_19 = arith.select %eq3A_17, %jit3A_18, %jit3A_16 : i32
    %rem3A_20 = arith.remsi %arg0, %select_n3A_19 : i32
    %ne3A_21 = arith.constant 0 : i32
    %ne3A_22 = arith.cmpi ne, %rem3A_20, %ne3A_21 : i32
    %lt3A = arith.constant 0 : i32
    %lt3A_23 = arith.cmpi slt, %rem3A_20, %lt3A : i32
    %lt3A_24 = arith.constant 0 : i32
    %lt3A_25 = arith.cmpi slt, %select_n3A_19, %lt3A_24 : i32
    %ne3A_26 = arith.xori %lt3A_23, %lt3A_25 : i1
    %and3A_27 = arith.andi %ne3A_26, %ne3A_22 : i1
    %add3A = arith.addi %rem3A_20, %select_n3A_19 : i32
    %select_n3A_28 = arith.select %and3A_27, %add3A, %rem3A_20 : i32
    %c0_i32 = arith.constant 0 : i32
    %c0_i32_29 = arith.constant 0 : i32
    return %select_n3A, %select_n3A_28, %c0_i32 : i32, i32, i32
  }
  func.func @transform_3(%arg0: i32) -> (i32, i32) {
    %c0_i32 = arith.constant 0 : i32
    %c0_i32_0 = arith.constant 0 : i32
    %c0_i32_1 = arith.constant 0 : i32
    return %c0_i32, %c0_i32_0 : i32, i32
  }
  func.func @transform_4(%arg0: i32) -> (i32, i32) {
    %c0_i32 = arith.constant 0 : i32
    %c0_i32_0 = arith.constant 0 : i32
    %c0_i32_1 = arith.constant 0 : i32
    return %c0_i32, %c0_i32_0 : i32, i32
  }
}

</mosaic_0001>

<sc_bundles>
// kernel: kernel.10.cloned.1.call-start
scs
__scs_entry_jumppad:
0x0: {  	(pc) =	sbr.rel $0x88, $3  }
0x1: {  	(tag) =	ssettag $0x0;
	lr =	simm.s32 $0x1  }
0x2: {  	[smem:$0x3F9F] =	sst lr;
	_ =	strace $0xD0000000  }
0x3: {  	_ = 	snop  }
0x4: {  	_ = 	snop  }
0x5: {  	_ = 	snop  }
0x6: {  	_ = 	snop  }
0x7: {  	_ = 	snop  }
__scs_overlays_trampoline_lowered:
0x8: {  	[smem:$0x3FAE] =	sst s0  }
0x9: {  	[smem:$0x3FAF] =	sst s1  }
0xa: {  	[smem:$0x3FB0] =	sst s2  }
0xb: {  	[smem:$0x3FB1] =	sst s3  }
0xc: {  	[smem:$0x3FB2] =	sst s4  }
0xd: {  	[smem:$0x3FB3] =	sst s5  }
0xe: {  	[smem:$0x3FB4] =	sst s6  }
0xf: {  	[smem:$0x3FB5] =	sst s7  }
0x10: {  	[smem:$0x3FB6] =	sst s8  }
0x11: {  	[smem:$0x3FB7] =	sst s9;
	s0 =	simm.s32 @!p0 $0x0  }
0x12: {  	s1 =	sld [smem:$0x3F9D];
	s0 =	simm.s32 @p0 $0x1  }
0x13: {  	[smem:$0x3FB8] =	sst s0;
	s0 =	simm.s32 @!p1 $0x0  }
0x14: {  	s2 =	sld [smem:$0x3F9C];
	s0 =	simm.s32 @p1 $0x1  }
0x15: {  	[smem:$0x3FB9] =	sst s0;
	s0 =	simm.s32 @!p2 $0x0  }
0x16: {  	s3 =	sld [smem:$0x3FDB];
	s0 =	simm.s32 @p2 $0x1  }
0x17: {  	s4 =	simm.s32 $0x1BF5;
	[smem:$0x3FBB] =	sst s0  }
0x18: {  	s0 =	sld [smem:$0x3F9E];
	_ =	swait.ge [sflag:s4], $0x0  }
0x19: {  	s7 =	sld [smem:$0x3F9F]  }
0x1a: {  	s8 =	sadd.s32 $0xFFFFE003, lr  }
0x1b: {  	s9 =	sadd.s32 $0xFFFFFEF7, lr;
	s5 =	simm.s32 $0xFFFFFFFF;
	p2 =	slt.u32 s8, $0xFFFFF086  }
0x1c: {  	p1 =	slt.u32 s9, $0xF7A;
	s5 =	simm.s32 @!p2 $0x0  }
0x1d: {  	s5 =	simm.s32 @p1 $0x1;
	p0 =	seq.s32 s7, s2  }
0x1e: {  	s7 =	smul.u32 @!p0 $0xF7A, s2;
	p2 =	seq.s32 @!p0 s5, $0x0  }
0x1f: {  	s9 =	smul.u32 $0xF7A, s1;
	s8 =	simm.s32 @!p0 $0x1BF5;
	p2 =	por !p2, p0  }
0x20: {  	[sflag:s8] =	ssyncset.s32 @!p0 $0xFFFFF086;
	s6 =	sadd.s32 @!p0 s3, s7;
	s7 =	simm.s32 @!p0 $0x108  }
0x21: {  	s3 =	sadd.s32 s3, s9;
	s6 =	sadd.s32 @!p0 $0x88, s6;
	s7 =	simm.s32 @p2 $0x1082  }
0x22: {  	[simem:s7], [sflag:s8] =	dma.local @!p0 [hbm:s6], $0xF7A  }
0x23: {  	s9 =	sor.u32 $0xD0000000, s2;
	s6 =	simm.s32 $0x108;
	_ =	swait.ge @!p0 [sflag:s8], $0x0  }
0x24: {  	s3 =	sadd.s32 $0x88, s3;
	s6 =	simm.s32 @!p1 $0x1082;
	[sflag:s4] =	ssyncset.s32 $0xFFFFF086  }
0x25: {  	[simem:s6], [sflag:s4] =	dma.local [hbm:s3], $0xF7A  }
0x26: {  	[smem:$0x3F9F] =	sst s1;
	(tag) =	ssettag s2;
	_ =	strace s9  }
0x27: {  	s1 =	sld [smem:$0x3FAF]  }
0x28: {  	s2 =	sld [smem:$0x3FB0]  }
0x29: {  	s4 =	sld [smem:$0x3FB2]  }
0x2a: {  	p0 =	seq.s32 s5, $0x0;
	s5 =	sld [smem:$0x3FB3]  }
0x2b: {  	s6 =	sld [smem:$0x3FB4]  }
0x2c: {  	s7 =	sld [smem:$0x3FB5]  }
0x2d: {  	s3 =	simm.s32 $0x108;
	s8 =	sld [smem:$0x3FB6]  }
0x2e: {  	s3 =	simm.s32 @!p0 $0x1082;
	s9 =	sld [smem:$0x3FB7]  }
0x2f: {  	lr =	sadd.s32 s0, s3;
	s0 =	sld [smem:$0x3FAE]  }
0x30: {  	s3 =	sld [smem:$0x3FB1]  }
0x31: {  	[smem:$0x3FBA] =	sst s10  }
0x32: {  	s10 =	sld [smem:$0x3FB8];
	_ =	sdelay $0x3  }
0x33: {  	p0 =	seq.s32 s10, $0x1;
	s10 =	sld [smem:$0x3FBA];
	_ =	sdelay $0x3  }
0x34: {  	[smem:$0x3FBA] =	sst s10  }
0x35: {  	s10 =	sld [smem:$0x3FB9];
	_ =	sdelay $0x3  }
0x36: {  	p1 =	seq.s32 s10, $0x1;
	s10 =	sld [smem:$0x3FBA];
	_ =	sdelay $0x3  }
0x37: {  	[smem:$0x3FBA] =	sst s10  }
0x38: {  	s10 =	sld [smem:$0x3FBB]  }
0x39: {  	_ = 	snop;
	(pc) =	sbr.ind lr, $3  }
0x3a: {  	_ = 	snop  }
0x3b: {  	_ = 	snop  }
0x3c: {  	p2 =	seq.s32 s10, $0x1;
	s10 =	sld [smem:$0x3FBA]  }
0x3d: {  	_ =	shalt  }
0x3e: {  	_ =	shalt  }
0x3f: {  	_ =	shalt  }
0x40: {  	_ =	shalt  }
0x41: {  	_ =	shalt  }
0x42: {  	_ =	shalt  }
0x43: {  	_ =	shalt  }
0x44: {  	_ =	shalt  }
0x45: {  	_ =	shalt  }
0x46: {  	_ =	shalt  }
0x47: {  	_ =	shalt  }
0x48: {  	_ =	shalt  }
0x49: {  	_ =	shalt  }
0x4a: {  	_ =	shalt  }
0x4b: {  	_ =	shalt  }
0x4c: {  	_ =	shalt  }
0x4d: {  	_ =	shalt  }
0x4e: {  	_ =	shalt  }
0x4f: {  	_ =	shalt  }
0x50: {  	_ =	shalt  }
0x51: {  	_ =	shalt  }
0x52: {  	_ =	shalt  }
0x53: {  	_ =	shalt  }
0x54: {  	_ =	shalt  }
0x55: {  	_ =	shalt  }
0x56: {  	_ =	shalt  }
0x57: {  	_ =	shalt  }
0x58: {  	_ =	shalt  }
0x59: {  	_ =	shalt  }
0x5a: {  	_ =	shalt  }
0x5b: {  	_ =	shalt  }
0x5c: {  	_ =	shalt  }
0x5d: {  	_ =	shalt  }
0x5e: {  	_ =	shalt  }
0x5f: {  	_ =	shalt  }
0x60: {  	_ =	shalt  }
0x61: {  	_ =	shalt  }
0x62: {  	_ =	shalt  }
0x63: {  	_ =	shalt  }
0x64: {  	_ =	shalt  }
0x65: {  	_ =	shalt  }
0x66: {  	_ =	shalt  }
0x67: {  	_ =	shalt  }
0x68: {  	_ =	shalt  }
0x69: {  	_ =	shalt  }
0x6a: {  	_ =	shalt  }
0x6b: {  	_ =	shalt  }
0x6c: {  	_ =	shalt  }
0x6d: {  	_ =	shalt  }
0x6e: {  	_ =	shalt  }
0x6f: {  	_ =	shalt  }
0x70: {  	_ =	shalt  }
0x71: {  	_ =	shalt  }
0x72: {  	_ =	shalt  }
0x73: {  	_ =	shalt  }
0x74: {  	_ =	shalt  }
0x75: {  	_ =	shalt  }
0x76: {  	_ =	shalt  }
0x77: {  	_ =	shalt  }
0x78: {  	_ =	shalt  }
0x79: {  	_ =	shalt  }
0x7a: {  	_ =	shalt  }
0x7b: {  	_ =	shalt  }
0x7c: {  	_ =	shalt  }
0x7d: {  	_ =	shalt  }
0x7e: {  	_ =	shalt  }
0x7f: {  	_ =	shalt  }
0x80: {  	_ =	shalt  }
0x81: {  	_ =	shalt  }
0x82: {  	_ =	shalt  }
0x83: {  	_ =	shalt  }
0x84: {  	_ =	shalt  }
0x85: {  	_ =	shalt  }
0x86: {  	_ =	shalt  }
0x87: {  	_ =	shalt  }
.Lfunc_end0:
.L_simem_size_0:
called_computation.1_lowered:
.L_overlay_start_0:
0x88: {  	s2 =	sld [smem:$0x3FD9]  }
0x89: {  	s3 =	sld [smem:$0x3FFE];
	_ =	sdelay $0x1  }
0x8a: {  	s1 =	srdreg.scid  }
0x8b: {  	s0 =	sand.u32 $0x1, s1  }
0x8c: {  	s16 =	sshll.u32 s0, $0xA;
	s2 =	sadd.s32 s3, s2  }
0x8d: {  	s2 =	sadd.s32 s2, s16  }
0x8e: {  	[smem:$0x3FC6] =	sst s2  }
0x8f: {  	_ = 	snop  }
0x90: {  	(tm) =	ssettm $0x1  }
0x91: {  	s17 =	sld [smem:$0x3FFB];
	_ =	sdelay $0x3  }
0x92: {  	_ =	strace s17  }
0x93: {  	s2 =	sld [smem:$0x3FFC];
	_ =	sdelay $0x3  }
0x94: {  	_ =	strace s2  }
0x95: {  	s2 =	sld [smem:$0x3FFD];
	_ =	sdelay $0x3  }
0x96: {  	_ =	strace s2  }
0x97: {  	_ =	strace $0x8FFFFFFF  }
0x98: {  	s18 =	sld [smem:$0x3FDB];
	_ =	sdelay $0x1  }
0x99: {  	s19 =	simm.s32 $_scs_section_size  }
0x9a: {  	s4 =	simm.s32 $_size__tile_overlayer_lowered;
	s5 =	simm.s32 $_tile_overlayer_lowered  }
0x9b: {  	s22 =	simm.s32 $0x1BFF;
	s21 =	sshll.u32 s5, $0x1;
	s2 =	sadd.s32 s19, s18  }
0x9c: {  	s6 =	simm.s32 $0x0;
	s20 =	sshll.u32 s4, $0x1;
	s4 =	sadd.s32 s21, s2  }
0x9d: {  	[timem:s6], [sflag:s22] =	dma.local [hbm:s4], s20  }
0x9e: {  	_ =	swait.ge [sflag:s22], s20  }
0x9f: {  	s3 =	ssub.s32 $0x0, s20;
	[sflag:s22] =	ssyncset.done $0x0  }
0xa0: {  	[sflag:s22] =	ssyncadd.s32 s3;
	_ =	sdelay $0x1  }
0xa1: {  	s23 =	simm.s32 $0x1B8B  }
0xa2: {  	_ =	swait.ge [sflag:s23], $0x1  }
0xa3: {  	[sflag:s23] =	ssyncset.done $0x0  }
0xa4: {  	s25 =	simm.s32 $0x1B8E;
	s24 =	sld [smem:$0x3FFE];
	[sflag:s23] =	ssyncadd.s32 $0xFFFFFFFF  }
0xa5: {  	s26 =	simm.s32 $execute0_lowered;
	[smem:$0x3FD2] =	sst s25  }
0xa6: {  	s4 =	sshll.u32 s26, $0x1;
	_ =	strace $0x80000046;
	[dreg:$0x1] =	wrdreg $0xFFFFFFFF  }
0xa7: {  	s28 =	simm.s32 $_size_execute0_lowered;
	s2 =	sadd.s32 s2, s4;
	[dreg:$0x0] =	wrdreg $0x0  }
0xa8: {  	s4 =	sshll.u32 s28, $0x1;
	[dreg:$0x2] =	wrdreg s2  }
0xa9: {  	[dreg:$0x3] =	wrdreg s4  }
0xaa: {  	[dreg:$0x4] =	wrdreg $0xC0  }
0xab: {  	_ =	task [dreg:s6], $0x5FFFF  }
0xac: {  	[dreg:$0x1] =	wrdreg $0xFFFFFFFF  }
0xad: {  	[dreg:$0x0] =	wrdreg $0x60  }
0xae: {  	[dreg:$0x2] =	wrdreg s24  }
0xaf: {  	[dreg:$0x3] =	wrdreg $0xA  }
0xb0: {  	_ =	task.clear_ibuf [dreg:s6], $0x4FFFF;
	_ =	strace $0x90000046  }
0xb1: {  	s29 =	simm.s32 $0xA;
	_ =	strace $0x80000048  }
0xb2: {  	_ =	swait.ge [sflag:s29], $0x1  }
0xb3: {  	[sflag:s29] =	ssyncadd.s32 $0xFFFFFFFF  }
0xb4: {  	_ =	strace $0x90000048  }
0xb5: {  	_ =	sfence  }
0xb6: {  	s30 =	sld [smem:$0x0];
	_ =	sdelay $0x2  }
0xb7: {  	s31 =	sshll.u32 s1, $0xD;
	s1 =	sshrl.u32 s1, $0x2  }
0xb8: {  	s3 =	sand.u32 $0x4000, s31;
	s1 =	sadd.s32 s1, s30  }
0xb9: {  	s0 =	sor.u32 s3, s0;
	s1 =	sshll.u32 s1, $0x11  }
0xba: {  	s0 =	sor.u32 s1, s0  }
0xbb: {  	s0 =	sadd.s32 $0x8F2B, s0  }
0xbc: {  	[sflag:s0] =	ssyncadd.remote.s32 $0x1  }
0xbd: {  	_ =	sfence.sel $0xFFFF  }
0xbe: {  	[dreg:$0x0] =	wrdreg $0xFFFFFFFF;
	(pc) =	sbr.abs _section_cstart, $3  }
0xbf: {  	[dreg:$0x1] =	wrdreg $0xFFFFFFFF  }
0xc0: {  	_ =	task.clear_ibuf [dreg:s6], $0x2FFFF;
	_ =	strace $0x9FFFFFFF  }
0xc1: {  	(tm) =	ssettm $0x7FFFFFFF  }
tec
execute0_lowered:
.L_overlay_start_1:
0x0: {  	(tag) =	ssettag $0x1  }
0x1: {  	s1 =	rddreg [dreg:$0x0]  }
0x2: {  	s0 =	rddreg [dreg:$0x1]  }
0x3: {  	s3 =	simm.s32 $0x0;
	s4 =	srdreg.scid;
	s2 =	stileid.u32  }
0x4: {  	s10 =	simm.s32 $0x1;
	s11 =	simm.s32 $0x2000;
	s12 =	simm.s32 $0x2  }
0x5: {  	s13 =	simm.s32 $0x80;
	s14 =	simm.s32 $0x400;
	s15 =	simm.s32 $0x3  }
0x6: {  	[smem:$0x7FF] =	sst s3;
	s4 =	sand.u32 $0x1, s4;
	s5 =	sshll.u32 s2, $0xE  }
0x7: {  	s7 =	sshll.u32 s2, $0x1;
	_ =	strace $0x80000047;
	s6 =	ssub.s32 $0x2, s4  }
0x8: {  	s5 =	sand.u32 $0x30000, s5;
	s7 =	sor.u32 s4, s7;
	s8 =	sshrl.u32 s6, $0x1  }
0x9: {  	s9 =	sadd.s32 s5, s1;
	s29 =	sshll.u32 s7, $0x4;
	s4 =	sshll.u32 s7, $0x12  }
0xa: {  	s30 =	sshll.u32 s7, $0xF;
	s8 =	ssub.s32 s6, s8;
	s31 =	sand.u32 $0x70, s29  }
0xb: {  	s5 =	sadd.s32 s1, s30;
	s6 =	sor.u32 $0x2000, s4;
	s7 =	sadd.s32 s31, s9  }
0xc: {  	v0 =	vimm.s32 $0x0;
	v1 =	vimm.s32 $0x1;
	s8 =	smax.u32 s8, $0x1;
	s9 =	simm.s32 $0x1000;
	s7 =	sadd.s32 $0x100000, s7  }
.LBB2_1:
0xd: {  	s16 =	simm.s32 $0x40;
	s17 =	simm.s32 $0x0  }
.LBB2_2:
0xe: {  	p0 =	sne.s32 s16, $0x3FFC0;
	[tilespmem:s17+$0x2000] =	vst v0;
	s17 =	smov.u32 s16;
	s16 =	sadd.s32 $0x40, s16  }
.Ltmp0:
0xf: {  	(pc) =	sbr.rel @p0 .LBB2_2-.Ltmp0, $2  }
0x10: {  	_ =	sdelay $0x2  }
0x11: {  	s17 =	sshra.s32 s17, $0x2  }
0x12: {  	[tilespmem:s17+$0x2000] =	vst v0;
	s16 =	simm.s32 $0x0;
	s17 =	simm.s32 $0x0  }
0x13: {  	[tilespmem:s16], [sflag:$0x1] =	stream.linear.gather [hbm4b:s5+s16], $0x1000, $0x38;
	[tilespmem:$0x12000] =	vst v63  }
.LBB2_4:
0x14: {  	s18 =	sshll.u32 s17, $0xD  }
0x15: {  	s19 =	sor.u32 s18, s4  }
0x16: {  	s19 =	sshrl.u32 s19, $0x3  }
0x17: {  	s19 =	sadd.s32 s19, s1  }
0x18: {  	s19 =	sadd.s32 $0x200, s19  }
0x19: {  	[tilespmem:s9], [sflag:$0x2] =	stream.linear.gather [hbm4b:s19+s16], $0x1000, $0x38;
	[tilespmem:$0x12000] =	vst v63  }
0x1a: {  	_ =	swait.ge [sflag:s10], $0x1000  }
0x1b: {  	[sflag:s10] =	ssyncset.done $0x0  }
0x1c: {  	s19 =	simm.s32 $0x0;
	[sflag:s10] =	ssyncadd.s32 $0xFFFFF000  }
.LBB2_5:
0x1d: {  	s20 =	sshra.s32 s19, $0x2  }
0x1e: {  	v2 =	vld [tilespmem:s20+$0x0];
	_ =	sdelay $0x4  }
0x1f: {  	v2 =	vshra.s32 v2, $0xF;
	_ =	sdelay $0x4  }
0x20: {  	[tilespmem:v2+s11+$0x0] =	vst.idx.add.s32.msk $0xffff, v1  }
0x21: {  	v2 =	vld [tilespmem:s20+$0x10];
	_ =	sdelay $0x4  }
0x22: {  	v2 =	vshra.s32 v2, $0xF;
	_ =	sdelay $0x4  }
0x23: {  	[tilespmem:v2+s11+$0x0] =	vst.idx.add.s32.msk $0xffff, v1  }
0x24: {  	v2 =	vld [tilespmem:s20+$0x20];
	_ =	sdelay $0x4  }
0x25: {  	v2 =	vshra.s32 v2, $0xF;
	_ =	sdelay $0x4  }
0x26: {  	[tilespmem:v2+s11+$0x0] =	vst.idx.add.s32.msk $0xffff, v1  }
0x27: {  	v2 =	vld [tilespmem:s20+$0x30];
	_ =	sdelay $0x4  }
0x28: {  	p0 =	sne.s32 s19, $0x3F00;
	v2 =	vshra.s32 v2, $0xF  }
.Ltmp1:
0x29: {  	_ = 	snop;
	(pc) =	sbr.rel @p0 .LBB2_5-.Ltmp1, $2  }
0x2a: {  	_ =	sdelay $0x2  }
0x2b: {  	s19 =	sadd.s32 $0x100, s19;
	[tilespmem:v2+s11+$0x0] =	vst.idx.add.s32.msk $0xffff, v1  }
0x2c: {  	p0 =	seq.s32 s17, $0x1F  }
0x2d: {  	s18 =	sadd.s32 @!p0 s18, s6  }
0x2e: {  	s18 =	sshrl.u32 @!p0 s18, $0x3  }
0x2f: {  	s19 =	simm.s32 @!p0 $0x0;
	s18 =	sadd.s32 @!p0 s1, s18  }
0x30: {  	[tilespmem:s19], [sflag:$0x1] =	stream.linear.gather @!p0 [hbm4b:s18+s19], $0x1000, $0x38;
	[tilespmem:$0x12000] =	vst v63  }
0x31: {  	_ =	swait.ge [sflag:s12], $0x1000  }
0x32: {  	[sflag:s12] =	ssyncset.done $0x0  }
0x33: {  	s18 =	simm.s32 $0x0;
	[sflag:s12] =	ssyncadd.s32 $0xFFFFF000  }
.LBB2_7:
0x34: {  	s19 =	sshra.s32 s18, $0x2  }
0x35: {  	v2 =	vld [tilespmem:s19+$0x1000];
	_ =	sdelay $0x4  }
0x36: {  	v2 =	vshra.s32 v2, $0xF;
	_ =	sdelay $0x4  }
0x37: {  	[tilespmem:v2+s11+$0x0] =	vst.idx.add.s32.msk $0xffff, v1  }
0x38: {  	v2 =	vld [tilespmem:s19+$0x1010];
	_ =	sdelay $0x4  }
0x39: {  	v2 =	vshra.s32 v2, $0xF;
	_ =	sdelay $0x4  }
0x3a: {  	[tilespmem:v2+s11+$0x0] =	vst.idx.add.s32.msk $0xffff, v1  }
0x3b: {  	v2 =	vld [tilespmem:s19+$0x1020];
	_ =	sdelay $0x4  }
0x3c: {  	v2 =	vshra.s32 v2, $0xF;
	_ =	sdelay $0x4  }
0x3d: {  	[tilespmem:v2+s11+$0x0] =	vst.idx.add.s32.msk $0xffff, v1  }
0x3e: {  	v2 =	vld [tilespmem:s19+$0x1030];
	_ =	sdelay $0x4  }
0x3f: {  	p0 =	sne.s32 s18, $0x3F00;
	v2 =	vshra.s32 v2, $0xF  }
.Ltmp2:
0x40: {  	_ = 	snop;
	(pc) =	sbr.rel @p0 .LBB2_7-.Ltmp2, $2  }
0x41: {  	_ =	sdelay $0x2  }
0x42: {  	s18 =	sadd.s32 $0x100, s18;
	[tilespmem:v2+s11+$0x0] =	vst.idx.add.s32.msk $0xffff, v1  }
0x43: {  	s17 =	sadd.s32 $0x1, s17  }
0x44: {  	p0 =	sne.s32 s17, $0x20  }
.Ltmp3:
0x45: {  	_ = 	snop;
	(pc) =	sbr.rel @p0 .LBB2_4-.Ltmp3, $1  }
0x46: {  	_ =	sdelay $0x3  }
0x47: {  	s3 =	sadd.s32 $0x1, s3  }
0x48: {  	p0 =	sne.s32 s3, s8  }
.Ltmp4:
0x49: {  	_ = 	snop;
	(pc) =	sbr.rel @p0 .LBB2_1-.Ltmp4, $4  }
0x4a: {  	[hbm4b:s7+s13] =	stream.strided.scatter [tilespmem:s11], [sflag:$0x3], $0x10000, s14, s13, $0x38;
	[tilespmem:$0x12000] =	vst v63  }
0x4b: {  	_ =	swait.ge [sflag:s15], $0x10000  }
0x4c: {  	[sflag:s15] =	ssyncset.done $0x0  }
0x4d: {  	[sflag:s15] =	ssyncadd.s32 $0xFFFF0000  }
0x4e: {  	_ =	sfence.sel $0x180000  }
0x4f: {  	[bflag:$0x0] =	sbarrier.arrive $0xFFFF  }
0x50: {  	p0 =	sne.s32 s2, $0x0;
	_ =	strace $0x90000047  }
0x51: {  	s0 =	sadd.s32 @!p0 $0x100000, s0;
	[bflag:$0x2] =	sbarrier.arrive $0xFFFF  }
0x52: {  	[sflag:s0] =	ssyncadd.tile.s32 @!p0 $0x1;
	_ =	shalt  }
.Lfunc_end2:
_tile_overlayer_lowered:
.L_overlay_start_2:
0x53: {  	(tag) =	ssettag $0x2  }
0x54: {  	s0 =	rddreg [dreg:$0x0];
	s2 =	stileid.u32  }
0x55: {  	s1 =	rddreg [dreg:$0x1];
	p0 =	sne.s32 s2, $0x0  }
0x56: {  	s3 =	rddreg [dreg:$0x2];
	[bflag:$0x3] =	sbarrier.arrive $0xFFFF;
	s2 =	simm.s32 @!p0 $0x1C03  }
0x57: {  	[timem:s3], [sflag:s2] =	dma.local @!p0 [hbm:s0], s1  }
0x58: {  	s0 =	simm.s32 @!p0 $0x3  }
0x59: {  	_ =	swait.ge @!p0 [sflag:s0], s1  }
0x5a: {  	s1 =	ssub.s32 @!p0 $0x0, s1;
	[sflag:s0] =	ssyncset.done @!p0 $0x0  }
0x5b: {  	[sflag:s0] =	ssyncadd.s32 @!p0 s1  }
0x5c: {  	[bflag:$0x3] =	sbarrier.arrive $0xFFFF  }
0x5d: {  	_ =	shalt  }

// kernel: kernel.7.cloned.1.call-start
scs
__scs_entry_jumppad:
0x0: {  	(pc) =	sbr.rel $0x88, $3  }
0x1: {  	(tag) =	ssettag $0x0;
	lr =	simm.s32 $0x1  }
0x2: {  	[smem:$0x3F9F] =	sst lr;
	_ =	strace $0xD0000000  }
0x3: {  	_ = 	snop  }
0x4: {  	_ = 	snop  }
0x5: {  	_ = 	snop  }
0x6: {  	_ = 	snop  }
0x7: {  	_ = 	snop  }
__scs_overlays_trampoline_lowered:
0x8: {  	[smem:$0x3FAE] =	sst s0  }
0x9: {  	[smem:$0x3FAF] =	sst s1  }
0xa: {  	[smem:$0x3FB0] =	sst s2  }
0xb: {  	[smem:$0x3FB1] =	sst s3  }
0xc: {  	[smem:$0x3FB2] =	sst s4  }
0xd: {  	[smem:$0x3FB3] =	sst s5  }
0xe: {  	[smem:$0x3FB4] =	sst s6  }
0xf: {  	[smem:$0x3FB5] =	sst s7  }
0x10: {  	[smem:$0x3FB6] =	sst s8  }
0x11: {  	[smem:$0x3FB7] =	sst s9;
	s0 =	simm.s32 @!p0 $0x0  }
0x12: {  	s1 =	sld [smem:$0x3F9D];
	s0 =	simm.s32 @p0 $0x1  }
0x13: {  	[smem:$0x3FB8] =	sst s0;
	s0 =	simm.s32 @!p1 $0x0  }
0x14: {  	s2 =	sld [smem:$0x3F9C];
	s0 =	simm.s32 @p1 $0x1  }
0x15: {  	[smem:$0x3FB9] =	sst s0;
	s0 =	simm.s32 @!p2 $0x0  }
0x16: {  	s3 =	sld [smem:$0x3FDB];
	s0 =	simm.s32 @p2 $0x1  }
0x17: {  	s4 =	simm.s32 $0x1BF5;
	[smem:$0x3FBB] =	sst s0  }
0x18: {  	s0 =	sld [smem:$0x3F9E];
	_ =	swait.ge [sflag:s4], $0x0  }
0x19: {  	s7 =	sld [smem:$0x3F9F]  }
0x1a: {  	s8 =	sadd.s32 $0xFFFFE003, lr  }
0x1b: {  	s9 =	sadd.s32 $0xFFFFFEF7, lr;
	s5 =	simm.s32 $0xFFFFFFFF;
	p2 =	slt.u32 s8, $0xFFFFF086  }
0x1c: {  	p1 =	slt.u32 s9, $0xF7A;
	s5 =	simm.s32 @!p2 $0x0  }
0x1d: {  	s5 =	simm.s32 @p1 $0x1;
	p0 =	seq.s32 s7, s2  }
0x1e: {  	s7 =	smul.u32 @!p0 $0xF7A, s2;
	p2 =	seq.s32 @!p0 s5, $0x0  }
0x1f: {  	s9 =	smul.u32 $0xF7A, s1;
	s8 =	simm.s32 @!p0 $0x1BF5;
	p2 =	por !p2, p0  }
0x20: {  	[sflag:s8] =	ssyncset.s32 @!p0 $0xFFFFF086;
	s6 =	sadd.s32 @!p0 s3, s7;
	s7 =	simm.s32 @!p0 $0x108  }
0x21: {  	s3 =	sadd.s32 s3, s9;
	s6 =	sadd.s32 @!p0 $0x88, s6;
	s7 =	simm.s32 @p2 $0x1082  }
0x22: {  	[simem:s7], [sflag:s8] =	dma.local @!p0 [hbm:s6], $0xF7A  }
0x23: {  	s9 =	sor.u32 $0xD0000000, s2;
	s6 =	simm.s32 $0x108;
	_ =	swait.ge @!p0 [sflag:s8], $0x0  }
0x24: {  	s3 =	sadd.s32 $0x88, s3;
	s6 =	simm.s32 @!p1 $0x1082;
	[sflag:s4] =	ssyncset.s32 $0xFFFFF086  }
0x25: {  	[simem:s6], [sflag:s4] =	dma.local [hbm:s3], $0xF7A  }
0x26: {  	[smem:$0x3F9F] =	sst s1;
	(tag) =	ssettag s2;
	_ =	strace s9  }
0x27: {  	s1 =	sld [smem:$0x3FAF]  }
0x28: {  	s2 =	sld [smem:$0x3FB0]  }
0x29: {  	s4 =	sld [smem:$0x3FB2]  }
0x2a: {  	p0 =	seq.s32 s5, $0x0;
	s5 =	sld [smem:$0x3FB3]  }
0x2b: {  	s6 =	sld [smem:$0x3FB4]  }
0x2c: {  	s7 =	sld [smem:$0x3FB5]  }
0x2d: {  	s3 =	simm.s32 $0x108;
	s8 =	sld [smem:$0x3FB6]  }
0x2e: {  	s3 =	simm.s32 @!p0 $0x1082;
	s9 =	sld [smem:$0x3FB7]  }
0x2f: {  	lr =	sadd.s32 s0, s3;
	s0 =	sld [smem:$0x3FAE]  }
0x30: {  	s3 =	sld [smem:$0x3FB1]  }
0x31: {  	[smem:$0x3FBA] =	sst s10  }
0x32: {  	s10 =	sld [smem:$0x3FB8];
	_ =	sdelay $0x3  }
0x33: {  	p0 =	seq.s32 s10, $0x1;
	s10 =	sld [smem:$0x3FBA];
	_ =	sdelay $0x3  }
0x34: {  	[smem:$0x3FBA] =	sst s10  }
0x35: {  	s10 =	sld [smem:$0x3FB9];
	_ =	sdelay $0x3  }
0x36: {  	p1 =	seq.s32 s10, $0x1;
	s10 =	sld [smem:$0x3FBA];
	_ =	sdelay $0x3  }
0x37: {  	[smem:$0x3FBA] =	sst s10  }
0x38: {  	s10 =	sld [smem:$0x3FBB]  }
0x39: {  	_ = 	snop;
	(pc) =	sbr.ind lr, $3  }
0x3a: {  	_ = 	snop  }
0x3b: {  	_ = 	snop  }
0x3c: {  	p2 =	seq.s32 s10, $0x1;
	s10 =	sld [smem:$0x3FBA]  }
0x3d: {  	_ =	shalt  }
0x3e: {  	_ =	shalt  }
0x3f: {  	_ =	shalt  }
0x40: {  	_ =	shalt  }
0x41: {  	_ =	shalt  }
0x42: {  	_ =	shalt  }
0x43: {  	_ =	shalt  }
0x44: {  	_ =	shalt  }
0x45: {  	_ =	shalt  }
0x46: {  	_ =	shalt  }
0x47: {  	_ =	shalt  }
0x48: {  	_ =	shalt  }
0x49: {  	_ =	shalt  }
0x4a: {  	_ =	shalt  }
0x4b: {  	_ =	shalt  }
0x4c: {  	_ =	shalt  }
0x4d: {  	_ =	shalt  }
0x4e: {  	_ =	shalt  }
0x4f: {  	_ =	shalt  }
0x50: {  	_ =	shalt  }
0x51: {  	_ =	shalt  }
0x52: {  	_ =	shalt  }
0x53: {  	_ =	shalt  }
0x54: {  	_ =	shalt  }
0x55: {  	_ =	shalt  }
0x56: {  	_ =	shalt  }
0x57: {  	_ =	shalt  }
0x58: {  	_ =	shalt  }
0x59: {  	_ =	shalt  }
0x5a: {  	_ =	shalt  }
0x5b: {  	_ =	shalt  }
0x5c: {  	_ =	shalt  }
0x5d: {  	_ =	shalt  }
0x5e: {  	_ =	shalt  }
0x5f: {  	_ =	shalt  }
0x60: {  	_ =	shalt  }
0x61: {  	_ =	shalt  }
0x62: {  	_ =	shalt  }
0x63: {  	_ =	shalt  }
0x64: {  	_ =	shalt  }
0x65: {  	_ =	shalt  }
0x66: {  	_ =	shalt  }
0x67: {  	_ =	shalt  }
0x68: {  	_ =	shalt  }
0x69: {  	_ =	shalt  }
0x6a: {  	_ =	shalt  }
0x6b: {  	_ =	shalt  }
0x6c: {  	_ =	shalt  }
0x6d: {  	_ =	shalt  }
0x6e: {  	_ =	shalt  }
0x6f: {  	_ =	shalt  }
0x70: {  	_ =	shalt  }
0x71: {  	_ =	shalt  }
0x72: {  	_ =	shalt  }
0x73: {  	_ =	shalt  }
0x74: {  	_ =	shalt  }
0x75: {  	_ =	shalt  }
0x76: {  	_ =	shalt  }
0x77: {  	_ =	shalt  }
0x78: {  	_ =	shalt  }
0x79: {  	_ =	shalt  }
0x7a: {  	_ =	shalt  }
0x7b: {  	_ =	shalt  }
0x7c: {  	_ =	shalt  }
0x7d: {  	_ =	shalt  }
0x7e: {  	_ =	shalt  }
0x7f: {  	_ =	shalt  }
0x80: {  	_ =	shalt  }
0x81: {  	_ =	shalt  }
0x82: {  	_ =	shalt  }
0x83: {  	_ =	shalt  }
0x84: {  	_ =	shalt  }
0x85: {  	_ =	shalt  }
0x86: {  	_ =	shalt  }
0x87: {  	_ =	shalt  }
.Lfunc_end0:
.L_simem_size_0:
called_computation_lowered:
.L_overlay_start_0:
0x88: {  	s2 =	sld [smem:$0x3FD9]  }
0x89: {  	s3 =	sld [smem:$0x3FFE];
	_ =	sdelay $0x1  }
0x8a: {  	s1 =	srdreg.scid  }
0x8b: {  	s0 =	sand.u32 $0x1, s1  }
0x8c: {  	s17 =	sshll.u32 s0, $0xA;
	s2 =	sadd.s32 s3, s2  }
0x8d: {  	s2 =	sadd.s32 s2, s17  }
0x8e: {  	[smem:$0x3FC6] =	sst s2  }
0x8f: {  	_ = 	snop  }
0x90: {  	(tm) =	ssettm $0x1  }
0x91: {  	s18 =	sld [smem:$0x3FFB];
	_ =	sdelay $0x3  }
0x92: {  	_ =	strace s18  }
0x93: {  	s2 =	sld [smem:$0x3FFC];
	_ =	sdelay $0x3  }
0x94: {  	_ =	strace s2  }
0x95: {  	s2 =	sld [smem:$0x3FFD];
	_ =	sdelay $0x3  }
0x96: {  	_ =	strace s2  }
0x97: {  	_ =	strace $0x8FFFFFFF  }
0x98: {  	s19 =	sld [smem:$0x3FDB];
	_ =	sdelay $0x1  }
0x99: {  	s20 =	simm.s32 $_scs_section_size  }
0x9a: {  	s4 =	simm.s32 $_size__tile_overlayer_lowered;
	s5 =	simm.s32 $_tile_overlayer_lowered  }
0x9b: {  	s6 =	simm.s32 $0x1BFF;
	s21 =	sshll.u32 s5, $0x1;
	s3 =	sadd.s32 s20, s19  }
0x9c: {  	s22 =	simm.s32 $0x0;
	s4 =	sshll.u32 s4, $0x1;
	s5 =	sadd.s32 s21, s3  }
0x9d: {  	[timem:s22], [sflag:s6] =	dma.local [hbm:s5], s4  }
0x9e: {  	_ =	swait.ge [sflag:s6], s4  }
0x9f: {  	s4 =	ssub.s32 $0x0, s4;
	[sflag:s6] =	ssyncset.done $0x0  }
0xa0: {  	[sflag:s6] =	ssyncadd.s32 s4;
	_ =	sdelay $0x1  }
0xa1: {  	s23 =	simm.s32 $0x1B8B  }
0xa2: {  	_ =	swait.ge [sflag:s23], $0x1  }
0xa3: {  	[sflag:s23] =	ssyncset.done $0x0  }
0xa4: {  	[sflag:s23] =	ssyncadd.s32 $0xFFFFFFFF  }
0xa5: {  	s4 =	sld [smem:$0x0]  }
0xa6: {  	s5 =	sand.u32 $0xFFFFFFFE, s1  }
0xa7: {  	p0 =	sne.s32 s1, s5  }
0xa8: {  	s5 =	sshll.u32 @p0 s5, $0xE  }
0xa9: {  	s5 =	sadd.s32 @p0 $0x11B8D, s5;
	s6 =	sshll.u32 @p0 s4, $0x11  }
0xaa: {  	s5 =	sor.u32 @p0 s6, s5  }
0xab: {  	[sflag:s5] =	ssyncadd.remote.s32 @p0 $0x1;
	_ =	sdelay $0x1  }
0xac: {  	s5 =	simm.s32 @p0 $0x1B8D  }
0xad: {  	_ =	swait.eq @p0 [sflag:s5], $0x1  }
0xae: {  	[sflag:s5] =	ssyncadd.s32 @p0 $0xFFFFFFFF  }
0xaf: {  	s6 =	sshll.u32 @!p0 s1, $0xE  }
0xb0: {  	s6 =	sor.u32 @!p0 $0x4000, s6;
	s5 =	simm.s32 @!p0 $0x1B8D  }
0xb1: {  	s4 =	sshll.u32 @!p0 s4, $0x11;
	s6 =	sadd.s32 @!p0 $0x11B8D, s6;
	_ =	swait.eq @!p0 [sflag:s5], $0x1  }
0xb2: {  	s4 =	sor.u32 @!p0 s4, s6;
	[sflag:s5] =	ssyncadd.s32 @!p0 $0xFFFFFFFF  }
0xb3: {  	s25 =	simm.s32 $0x1B8E;
	s24 =	sld [smem:$0x3FFE];
	[sflag:s4] =	ssyncadd.remote.s32 @!p0 $0x1  }
0xb4: {  	s26 =	simm.s32 $execute0_lowered;
	[smem:$0x3FD2] =	sst s25  }
0xb5: {  	s5 =	sshll.u32 s26, $0x1;
	_ =	strace $0x80000049;
	[dreg:$0x1] =	wrdreg $0xFFFFFFFF  }
0xb6: {  	s28 =	simm.s32 $_size_execute0_lowered;
	s3 =	sadd.s32 s3, s5;
	[dreg:$0x0] =	wrdreg $0x0  }
0xb7: {  	s5 =	sshll.u32 s28, $0x1;
	[dreg:$0x2] =	wrdreg s3  }
0xb8: {  	[dreg:$0x3] =	wrdreg s5  }
0xb9: {  	[dreg:$0x4] =	wrdreg $0xC0  }
0xba: {  	_ =	task [dreg:s22], $0x5FFFF  }
0xbb: {  	[dreg:$0x1] =	wrdreg $0xFFFFFFFF  }
0xbc: {  	[dreg:$0x0] =	wrdreg $0x60  }
0xbd: {  	[dreg:$0x2] =	wrdreg s24  }
0xbe: {  	[dreg:$0x3] =	wrdreg $0x9  }
0xbf: {  	_ =	task.clear_ibuf [dreg:s22], $0x4FFFF;
	_ =	strace $0x90000049  }
0xc0: {  	s29 =	simm.s32 $0x9;
	_ =	strace $0x8000004B  }
0xc1: {  	_ =	swait.ge [sflag:s29], $0x1  }
0xc2: {  	[sflag:s29] =	ssyncadd.s32 $0xFFFFFFFF  }
0xc3: {  	_ =	strace $0x9000004B  }
0xc4: {  	_ =	sfence  }
0xc5: {  	s30 =	sld [smem:$0x0];
	_ =	sdelay $0x2  }
0xc6: {  	s31 =	sshll.u32 s1, $0xD;
	s1 =	sshrl.u32 s1, $0x2  }
0xc7: {  	s4 =	sand.u32 $0x4000, s31;
	s1 =	sadd.s32 s1, s30  }
0xc8: {  	s0 =	sor.u32 s4, s0;
	s1 =	sshll.u32 s1, $0x11  }
0xc9: {  	s0 =	sor.u32 s1, s0  }
0xca: {  	s0 =	sadd.s32 $0x8F2B, s0  }
0xcb: {  	[sflag:s0] =	ssyncadd.remote.s32 $0x1  }
0xcc: {  	_ =	sfence.sel $0xFFFF  }
0xcd: {  	[dreg:$0x0] =	wrdreg $0xFFFFFFFF;
	(pc) =	sbr.abs _section_cstart, $3  }
0xce: {  	[dreg:$0x1] =	wrdreg $0xFFFFFFFF  }
0xcf: {  	_ =	task.clear_ibuf [dreg:s22], $0x2FFFF;
	_ =	strace $0x9FFFFFFF  }
0xd0: {  	(tm) =	ssettm $0x7FFFFFFF  }
0xd1: {  	_ =	shalt  }
tec
execute0_lowered:
.L_overlay_start_1:
0x0: {  	(tag) =	ssettag $0x1  }
0x1: {  	s4 =	rddreg [dreg:$0x0]  }
0x2: {  	s0 =	rddreg [dreg:$0x1];
	s1 =	simm.s32 $0x0  }
0x3: {  	s5 =	srdreg.scid;
	s2 =	stileid.u32;
	s10 =	simm.s32 $0x1  }
0x4: {  	s11 =	simm.s32 $0x2000;
	s12 =	simm.s32 $0x2;
	s13 =	simm.s32 $0x80  }
0x5: {  	s14 =	simm.s32 $0x400;
	s15 =	simm.s32 $0x3;
	[smem:$0x7FF] =	sst s1  }
0x6: {  	s3 =	sadd.s32 $0x140000, s4;
	s5 =	sand.u32 $0x1, s5;
	s6 =	sshll.u32 s2, $0xE  }
0x7: {  	s8 =	sshll.u32 s2, $0x1;
	_ =	strace $0x8000004A;
	s7 =	ssub.s32 $0x2, s5  }
0x8: {  	s6 =	sand.u32 $0x30000, s6;
	s5 =	sor.u32 s5, s8;
	s9 =	sshrl.u32 s7, $0x1  }
0x9: {  	s29 =	sadd.s32 s6, s4;
	s30 =	sshll.u32 s5, $0x4;
	s4 =	sshll.u32 s5, $0x12  }
0xa: {  	s5 =	sshll.u32 s5, $0xF;
	s9 =	ssub.s32 s7, s9;
	s31 =	sand.u32 $0x70, s30  }
0xb: {  	s5 =	sadd.s32 s3, s5;
	s6 =	sor.u32 $0x2000, s4;
	s7 =	sadd.s32 s31, s29  }
0xc: {  	v0 =	vimm.s32 $0x0;
	v1 =	vimm.s32 $0x1;
	s8 =	smax.u32 s9, $0x1;
	s9 =	simm.s32 $0x1000;
	s7 =	sadd.s32 $0x240000, s7  }
.LBB2_1:
0xd: {  	s16 =	simm.s32 $0x40;
	s17 =	simm.s32 $0x0  }
.LBB2_2:
0xe: {  	p0 =	sne.s32 s16, $0x3FFC0;
	[tilespmem:s17+$0x2000] =	vst v0;
	s17 =	smov.u32 s16;
	s16 =	sadd.s32 $0x40, s16  }
.Ltmp0:
0xf: {  	(pc) =	sbr.rel @p0 .LBB2_2-.Ltmp0, $2  }
0x10: {  	_ =	sdelay $0x2  }
0x11: {  	s17 =	sshra.s32 s17, $0x2  }
0x12: {  	[tilespmem:s17+$0x2000] =	vst v0;
	s16 =	simm.s32 $0x0;
	s17 =	simm.s32 $0x0  }
0x13: {  	[tilespmem:s16], [sflag:$0x1] =	stream.linear.gather [hbm4b:s5+s16], $0x1000, $0x38;
	[tilespmem:$0x12000] =	vst v63  }
.LBB2_4:
0x14: {  	s18 =	sshll.u32 s17, $0xD  }
0x15: {  	s19 =	sor.u32 s18, s4  }
0x16: {  	s19 =	sshrl.u32 s19, $0x3  }
0x17: {  	s19 =	sadd.s32 s19, s3  }
0x18: {  	s19 =	sadd.s32 $0x200, s19  }
0x19: {  	[tilespmem:s9], [sflag:$0x2] =	stream.linear.gather [hbm4b:s19+s16], $0x1000, $0x38;
	[tilespmem:$0x12000] =	vst v63  }
0x1a: {  	_ =	swait.ge [sflag:s10], $0x1000  }
0x1b: {  	[sflag:s10] =	ssyncset.done $0x0  }
0x1c: {  	s19 =	simm.s32 $0x0;
	[sflag:s10] =	ssyncadd.s32 $0xFFFFF000  }
.LBB2_5:
0x1d: {  	s20 =	sshra.s32 s19, $0x2  }
0x1e: {  	v2 =	vld [tilespmem:s20+$0x0];
	_ =	sdelay $0x4  }
0x1f: {  	v2 =	vshra.s32 v2, $0xF;
	_ =	sdelay $0x4  }
0x20: {  	[tilespmem:v2+s11+$0x0] =	vst.idx.add.s32.msk $0xffff, v1  }
0x21: {  	v2 =	vld [tilespmem:s20+$0x10];
	_ =	sdelay $0x4  }
0x22: {  	v2 =	vshra.s32 v2, $0xF;
	_ =	sdelay $0x4  }
0x23: {  	[tilespmem:v2+s11+$0x0] =	vst.idx.add.s32.msk $0xffff, v1  }
0x24: {  	v2 =	vld [tilespmem:s20+$0x20];
	_ =	sdelay $0x4  }
0x25: {  	v2 =	vshra.s32 v2, $0xF;
	_ =	sdelay $0x4  }
0x26: {  	[tilespmem:v2+s11+$0x0] =	vst.idx.add.s32.msk $0xffff, v1  }
0x27: {  	v2 =	vld [tilespmem:s20+$0x30];
	_ =	sdelay $0x4  }
0x28: {  	p0 =	sne.s32 s19, $0x3F00;
	v2 =	vshra.s32 v2, $0xF  }
.Ltmp1:
0x29: {  	_ = 	snop;
	(pc) =	sbr.rel @p0 .LBB2_5-.Ltmp1, $2  }
0x2a: {  	_ =	sdelay $0x2  }
0x2b: {  	s19 =	sadd.s32 $0x100, s19;
	[tilespmem:v2+s11+$0x0] =	vst.idx.add.s32.msk $0xffff, v1  }
0x2c: {  	p0 =	seq.s32 s17, $0x1F  }
0x2d: {  	s18 =	sadd.s32 @!p0 s18, s6  }
0x2e: {  	s18 =	sshrl.u32 @!p0 s18, $0x3  }
0x2f: {  	s19 =	simm.s32 @!p0 $0x0;
	s18 =	sadd.s32 @!p0 s3, s18  }
0x30: {  	[tilespmem:s19], [sflag:$0x1] =	stream.linear.gather @!p0 [hbm4b:s18+s19], $0x1000, $0x38;
	[tilespmem:$0x12000] =	vst v63  }
0x31: {  	_ =	swait.ge [sflag:s12], $0x1000  }
0x32: {  	[sflag:s12] =	ssyncset.done $0x0  }
0x33: {  	s18 =	simm.s32 $0x0;
	[sflag:s12] =	ssyncadd.s32 $0xFFFFF000  }
.LBB2_7:
0x34: {  	s19 =	sshra.s32 s18, $0x2  }
0x35: {  	v2 =	vld [tilespmem:s19+$0x1000];
	_ =	sdelay $0x4  }
0x36: {  	v2 =	vshra.s32 v2, $0xF;
	_ =	sdelay $0x4  }
0x37: {  	[tilespmem:v2+s11+$0x0] =	vst.idx.add.s32.msk $0xffff, v1  }
0x38: {  	v2 =	vld [tilespmem:s19+$0x1010];
	_ =	sdelay $0x4  }
0x39: {  	v2 =	vshra.s32 v2, $0xF;
	_ =	sdelay $0x4  }
0x3a: {  	[tilespmem:v2+s11+$0x0] =	vst.idx.add.s32.msk $0xffff, v1  }
0x3b: {  	v2 =	vld [tilespmem:s19+$0x1020];
	_ =	sdelay $0x4  }
0x3c: {  	v2 =	vshra.s32 v2, $0xF;
	_ =	sdelay $0x4  }
0x3d: {  	[tilespmem:v2+s11+$0x0] =	vst.idx.add.s32.msk $0xffff, v1  }
0x3e: {  	v2 =	vld [tilespmem:s19+$0x1030];
	_ =	sdelay $0x4  }
0x3f: {  	p0 =	sne.s32 s18, $0x3F00;
	v2 =	vshra.s32 v2, $0xF  }
.Ltmp2:
0x40: {  	_ = 	snop;
	(pc) =	sbr.rel @p0 .LBB2_7-.Ltmp2, $2  }
0x41: {  	_ =	sdelay $0x2  }
0x42: {  	s18 =	sadd.s32 $0x100, s18;
	[tilespmem:v2+s11+$0x0] =	vst.idx.add.s32.msk $0xffff, v1  }
0x43: {  	s17 =	sadd.s32 $0x1, s17  }
0x44: {  	p0 =	sne.s32 s17, $0x20  }
.Ltmp3:
0x45: {  	_ = 	snop;
	(pc) =	sbr.rel @p0 .LBB2_4-.Ltmp3, $1  }
0x46: {  	_ =	sdelay $0x3  }
0x47: {  	s1 =	sadd.s32 $0x1, s1  }
0x48: {  	p0 =	sne.s32 s1, s8  }
.Ltmp4:
0x49: {  	_ = 	snop;
	(pc) =	sbr.rel @p0 .LBB2_1-.Ltmp4, $4  }
0x4a: {  	[hbm4b:s7+s13] =	stream.strided.scatter [tilespmem:s11], [sflag:$0x3], $0x10000, s14, s13, $0x38;
	[tilespmem:$0x12000] =	vst v63  }
0x4b: {  	_ =	swait.ge [sflag:s15], $0x10000  }
0x4c: {  	[sflag:s15] =	ssyncset.done $0x0  }
0x4d: {  	[sflag:s15] =	ssyncadd.s32 $0xFFFF0000  }
0x4e: {  	_ =	sfence.sel $0x180000  }
0x4f: {  	[bflag:$0x0] =	sbarrier.arrive $0xFFFF  }
0x50: {  	p0 =	sne.s32 s2, $0x0;
	_ =	strace $0x9000004A  }
0x51: {  	s0 =	sadd.s32 @!p0 $0x100000, s0;
	[bflag:$0x2] =	sbarrier.arrive $0xFFFF  }
0x52: {  	[sflag:s0] =	ssyncadd.tile.s32 @!p0 $0x1;
	_ =	shalt  }
.Lfunc_end2:
_tile_overlayer_lowered:
.L_overlay_start_2:
0x53: {  	(tag) =	ssettag $0x2  }
0x54: {  	s0 =	rddreg [dreg:$0x0];
	s2 =	stileid.u32  }
0x55: {  	s1 =	rddreg [dreg:$0x1];
	p0 =	sne.s32 s2, $0x0  }
0x56: {  	s3 =	rddreg [dreg:$0x2];
	[bflag:$0x3] =	sbarrier.arrive $0xFFFF;
	s2 =	simm.s32 @!p0 $0x1C03  }
0x57: {  	[timem:s3], [sflag:s2] =	dma.local @!p0 [hbm:s0], s1  }
0x58: {  	s0 =	simm.s32 @!p0 $0x3  }
0x59: {  	_ =	swait.ge @!p0 [sflag:s0], s1  }
0x5a: {  	s1 =	ssub.s32 @!p0 $0x0, s1;
	[sflag:s0] =	ssyncset.done @!p0 $0x0  }
0x5b: {  	[sflag:s0] =	ssyncadd.s32 @!p0 s1  }
0x5c: {  	[bflag:$0x3] =	sbarrier.arrive $0xFFFF  }
0x5d: {  	_ =	shalt  }

</sc_bundles>
